<compile_context>
chip_gen: v7x
topology: tpu7x:2x2x1
jax: 0.10.2.dev20260603
libtpu: 0.0.44.dev20260713+nightly
codegen_flags: <defaults>
</compile_context>

<pallas_src>
import functools

import jax
import jax.numpy as jnp
from jax import lax
from jax.experimental import pallas as pl
from jax.experimental.pallas import tpu as pltpu
from jax.experimental.pallas import tpu_sc as plsc

B, C, H, W = 4, 3136, 56, 56
HB = 14
NH = H // HB
K = 64
HT = 32
HS = H - HT
NPOS = B * H * W
NWORK = 32
RPW = HS * W // 8
NCH = RPW // 8
NGR = RPW // 56


def _reduce_body(x_ref, ma_ref, val_ref):
    i = pl.program_id(1)
    x = x_ref[0]
    mx = jnp.max(x, axis=2)
    sm = jnp.sum(x, axis=2) * (1.0 / C)
    ma_ref[0] = jnp.stack([mx, sm], axis=-1)
    pv = jnp.sum(x, axis=(0, 1))[None, :]

    @pl.when(i == 0)
    def _():
        val_ref[0] = pv

    @pl.when(i > 0)
    def _():
        val_ref[0] = val_ref[0] + pv


def _topk_body(val_ref, sel_ref):
    v = val_ref[:, 0, :]
    lanes = lax.broadcasted_iota(jnp.int32, (B, C), 1)
    lanes_k = lax.broadcasted_iota(jnp.int32, (B, K), 1)

    def body(j, carry):
        v, selv = carry
        m = jnp.max(v, axis=1, keepdims=True)
        idx = jnp.min(jnp.where(v >= m, lanes, C), axis=1,
                      keepdims=True)
        selv = jnp.where(lanes_k == j, idx, selv)
        v = jnp.where(lanes == idx, -jnp.inf, v)
        return v, selv

    _, selv = lax.fori_loop(0, K, body,
                            (v, jnp.zeros((B, K), jnp.int32)))
    sel_ref[...] = selv


def _tc_gather_body(x_ref, sel_ref, out_ref, oh):
    i = pl.program_id(1)

    @pl.when(i == 0)
    def _():
        crow = lax.broadcasted_iota(jnp.int32, (C, K), 0)
        oh[...] = jnp.where(crow == jnp.broadcast_to(sel_ref[0], (C, K)),
                            1.0, 0.0)

    x = x_ref[0]
    mx = jnp.max(x, axis=2)
    sm = jnp.sum(x, axis=2) * (1.0 / C)
    g = jax.lax.dot_general(x.reshape(8 * W, C), oh[...],
                            (((1,), (0,)), ((), ())),
                            preferred_element_type=jnp.float32)
    out_ref[0] = jnp.concatenate(
        [jnp.stack([mx, sm], axis=-1), g.reshape(8, W, K)], axis=-1)


def _sc_gather_body(corr_hbm, ma_hbm, sel_hbm, out_hbm, sel_v, xa_v, xb_v,
                    ma_v, o_v, sa, sb):
    w = lax.axis_index("s") * 2 + lax.axis_index("c")
    b = w // 8
    base = b * (H * W) + HT * W + (w % 8) * RPW
    obase = b * (HS * W) + (w % 8) * RPW
    pltpu.sync_copy(sel_hbm, sel_v)
    iota = lax.broadcasted_iota(jnp.int32, (16,), 0)
    ma_s = iota >> 1
    ma_c = iota & 1
    cidx = [sel_v[pl.ds(b * K + k * 16, 16)] for k in range(K // 16)]

    def start(m, buf, sem):
        pltpu.make_async_copy(
            corr_hbm.at[pl.ds(base + m * 8, 8)], buf, sem).start()

    def finish(m, buf, sem):
        pltpu.make_async_copy(
            corr_hbm.at[pl.ds(base + m * 8, 8)], buf, sem).wait()
        g = m % 7
        for k in range(K // 16):
            oidx = 2 + k * 16 + iota
            for s in range(8):
                sidx = jnp.full((16,), g * 8 + s, jnp.int32)
                vals = plsc.load_gather(buf, [jnp.full((16,), s, jnp.int32),
                                              cidx[k]])
                plsc.store_scatter(o_v, [sidx, oidx], vals)

    def step(m, carry):
        @pl.when(m % 7 == 0)
        def _():
            pltpu.sync_copy(ma_hbm.at[pl.ds(base + (m // 7) * 56, 56)], ma_v)
            for q in range(7):
                mvals = plsc.load_gather(ma_v, [q * 8 + ma_s, ma_c])
                plsc.store_scatter(o_v, [q * 8 + ma_s, ma_c], mvals)

        @pl.when(m < NCH - 1)
        def _():
            @pl.when(m % 2 == 0)
            def _():
                start(m + 1, xb_v, sb)

            @pl.when(m % 2 == 1)
            def _():
                start(m + 1, xa_v, sa)

        @pl.when(m % 2 == 0)
        def _():
            finish(m, xa_v, sa)

        @pl.when(m % 2 == 1)
        def _():
            finish(m, xb_v, sb)

        @pl.when(m % 7 == 6)
        def _():
            pltpu.sync_copy(o_v, out_hbm.at[pl.ds(obase + (m // 7) * 56, 56)])
        return carry

    start(0, xa_v, sa)
    lax.fori_loop(0, NCH, step, 0)


@functools.cache
def _sc_gather():
    return pl.kernel(
        _sc_gather_body,
        out_type=jax.ShapeDtypeStruct((B * HS * W, 2 + K), jnp.float32),
        mesh=plsc.VectorSubcoreMesh(core_axis_name="c", subcore_axis_name="s"),
        scratch_types=[
            pltpu.VMEM((B * K,), jnp.int32),
            pltpu.VMEM((8, C), jnp.float32),
            pltpu.VMEM((8, C), jnp.float32),
            pltpu.VMEM((56, 2), jnp.float32),
            pltpu.VMEM((56, 2 + K), jnp.float32),
            pltpu.SemaphoreType.DMA,
            pltpu.SemaphoreType.DMA,
        ],
        compiler_params=pltpu.CompilerParams(needs_layout_passes=False),
    )


@jax.jit
def kernel(corr, select_indices):
    corr_t = jnp.transpose(corr, (0, 2, 3, 1))
    ma, val = pl.pallas_call(
        _reduce_body,
        grid=(B, NH),
        in_specs=[pl.BlockSpec((1, HB, W, C), lambda b, i: (b, i, 0, 0))],
        out_specs=[
            pl.BlockSpec((1, HB, W, 2), lambda b, i: (b, i, 0, 0)),
            pl.BlockSpec((1, 1, C), lambda b, i: (b, 0, 0)),
        ],
        out_shape=[
            jax.ShapeDtypeStruct((B, H, W, 2), jnp.float32),
            jax.ShapeDtypeStruct((B, 1, C), jnp.float32),
        ],
    )(corr_t)

    sel = pl.pallas_call(
        _topk_body,
        grid=(1,),
        in_specs=[pl.BlockSpec((B, 1, C), lambda i: (0, 0, 0))],
        out_specs=pl.BlockSpec((B, K), lambda i: (0, 0)),
        out_shape=jax.ShapeDtypeStruct((B, K), jnp.int32),
    )(val)

    sel = jnp.take(sel, select_indices, axis=1)
    sel = sel.astype(jnp.int32)

    out_s = _sc_gather()(corr_t.reshape(NPOS, C), ma.reshape(NPOS, 2),
                         sel.reshape(B * K))

    out_tc = pl.pallas_call(
        _tc_gather_body,
        grid=(B, HT // 8),
        in_specs=[
            pl.BlockSpec((1, 8, W, C), lambda b, i: (b, i, 0, 0)),
            pl.BlockSpec((1, 1, K), lambda b, i: (b, 0, 0)),
        ],
        out_specs=pl.BlockSpec((1, 8, W, 2 + K), lambda b, i: (b, i, 0, 0)),
        out_shape=jax.ShapeDtypeStruct((B, HT, W, 2 + K), jnp.float32),
        scratch_shapes=[pltpu.VMEM((C, K), jnp.float32)],
    )(corr_t, sel.reshape(B, 1, K))

    out_t = jnp.concatenate(
        [out_tc, out_s.reshape(B, HS, W, 2 + K)], axis=1)
    return jnp.transpose(out_t, (0, 3, 1, 2))

# --- scband reference (transcript-rebuilt; emitter-appended) ---
"""Pipeline reference for scband-poolopt-on-corrmat-58617713655858 (READ-ONLY COPY).

The authoritative reference and input builder live on the scoring server;
editing this copy changes nothing except your own understanding.
"""

import jax, jax.numpy as jnp
import numpy as np


def setup_inputs(seed: int = 0) -> dict:
    key = jax.random.key(seed)
    corr = jax.random.normal(key, (4, 3136, 56, 56), dtype=jnp.float32)
    # select_indices materialized from init_kwargs: top-64 slots of the sorted channel order
    select_indices = jnp.arange(64, dtype=jnp.int32)
    return {"corr": corr, "select_indices": select_indices}


def reference(corr, select_indices):
    # torch.max(corr, 1, keepdim=True) returns (values, indices); max_corr[0] are the values
    max_vals = jnp.max(corr, axis=1, keepdims=True)          # [bs, 1, H, W]
    avg_corr = jnp.mean(corr, axis=1, keepdims=True)         # [bs, 1, H, W]
    # value1 = sum over dim 3, value = sum over dim 2  -> per-channel total correlation
    value = jnp.sum(corr, axis=(3, 2))                       # [bs, C]
    # descending sort of channel scores
    sort_v_idx = jnp.argsort(-value, axis=1)                 # [bs, C]
    # index_select along dim 1 with select_indices
    sel = jnp.take(sort_v_idx, select_indices, axis=1)       # [bs, k]
    # per-batch gather of selected channels (vectorized equivalent of the python loop)
    sort_corr = jnp.take_along_axis(corr, sel[:, :, None, None], axis=1)  # [bs, k, H, W]
    out = jnp.concatenate([max_vals, avg_corr, sort_corr], axis=1)        # [bs, 2+k, H, W]
    return out

if __name__ == "__main__":
    import jax
    _d = setup_inputs()
    print(jax.jit(kernel)(*tuple(_d.values())))

</pallas_src>

<mosaic_0001>
#map = affine_map<(d0, d1) -> (0, 0)>
#map1 = affine_map<(d0, d1) -> (0)>
module attributes {stable_mosaic.version = 14 : i64} {
  func.func @_sc_gather_body(%arg0: i32, %arg1: i32, %arg2: memref<12544x3136xf32, #tpu.memory_space<hbm>>, %arg3: memref<12544x2xf32, #tpu.memory_space<hbm>>, %arg4: memref<256xi32, #tpu.memory_space<hbm>>, %arg5: memref<5376x66xf32, #tpu.memory_space<hbm>>, %arg6: memref<256xi32, #tpu.memory_space<vmem>>, %arg7: memref<8x3136xf32, #tpu.memory_space<vmem>>, %arg8: memref<8x3136xf32, #tpu.memory_space<vmem>>, %arg9: memref<56x2xf32, #tpu.memory_space<vmem>>, %arg10: memref<56x66xf32, #tpu.memory_space<vmem>>, %arg11: memref<!tpu.dma_semaphore, #tpu.memory_space<semaphore_mem>>, %arg12: memref<!tpu.dma_semaphore, #tpu.memory_space<semaphore_mem>>) attributes {dimension_semantics = [#tpu.dimension_semantics<core_parallel>, #tpu.dimension_semantics<subcore_parallel>], iteration_bounds = array<i64: 2, 16>, scalar_prefetch = 0 : i64, scratch_operands = 7 : i64, tpu.core_type = #tpu.core_type<sc_vector_subcore>, window_params = [{transform_indices = #map}, {transform_indices = #map}, {transform_indices = #map1}, {transform_indices = #map}]} {
    %mul3A = arith.constant 2 : i32
    %mul3A_0 = arith.muli %arg1, %mul3A : i32
    %add3A = arith.addi %mul3A_0, %arg0 : i32
    %jit3A = arith.constant 8 : i32
    %div3A = arith.divsi %add3A, %jit3A : i32
    %sign3A = arith.constant 0 : i32
    %sign3A_1 = arith.cmpi sgt, %add3A, %sign3A : i32
    %sign3A_2 = arith.extui %sign3A_1 : i1 to i32
    %sign3A_3 = arith.constant 0 : i32
    %sign3A_4 = arith.cmpi slt, %add3A, %sign3A_3 : i32
    %sign3A_5 = arith.extui %sign3A_4 : i1 to i32
    %sign3A_6 = arith.subi %sign3A_2, %sign3A_5 : i32
    %sign3A_7 = arith.constant 0 : i32
    %sign3A_8 = arith.cmpi sgt, %jit3A, %sign3A_7 : i32
    %sign3A_9 = arith.extui %sign3A_8 : i1 to i32
    %sign3A_10 = arith.constant 0 : i32
    %sign3A_11 = arith.cmpi slt, %jit3A, %sign3A_10 : i32
    %sign3A_12 = arith.extui %sign3A_11 : i1 to i32
    %sign3A_13 = arith.subi %sign3A_9, %sign3A_12 : i32
    %ne3A = arith.cmpi ne, %sign3A_6, %sign3A_13 : i32
    %rem3A = arith.remsi %add3A, %jit3A : i32
    %ne3A_14 = arith.constant 0 : i32
    %ne3A_15 = arith.cmpi ne, %rem3A, %ne3A_14 : i32
    %and3A = arith.andi %ne3A, %ne3A_15 : i1
    %sub3A = arith.constant 1 : i32
    %sub3A_16 = arith.subi %div3A, %sub3A : i32
    %select_n3A = arith.select %and3A, %sub3A_16, %div3A : i32
    %mul3A_17 = arith.constant 3136 : i32
    %mul3A_18 = arith.muli %select_n3A, %mul3A_17 : i32
    %add3A_19 = arith.constant 1792 : i32
    %add3A_20 = arith.addi %mul3A_18, %add3A_19 : i32
    %jit3A_21 = arith.constant 8 : i32
    %eq3A = arith.constant 0 : i32
    %eq3A_22 = arith.cmpi eq, %jit3A_21, %eq3A : i32
    %jit3A_23 = arith.constant 1 : i32
    %select_n3A_24 = arith.select %eq3A_22, %jit3A_23, %jit3A_21 : i32
    %rem3A_25 = arith.remsi %add3A, %select_n3A_24 : i32
    %ne3A_26 = arith.constant 0 : i32
    %ne3A_27 = arith.cmpi ne, %rem3A_25, %ne3A_26 : i32
    %lt3A = arith.constant 0 : i32
    %lt3A_28 = arith.cmpi slt, %rem3A_25, %lt3A : i32
    %lt3A_29 = arith.constant 0 : i32
    %lt3A_30 = arith.cmpi slt, %select_n3A_24, %lt3A_29 : i32
    %ne3A_31 = arith.xori %lt3A_28, %lt3A_30 : i1
    %and3A_32 = arith.andi %ne3A_31, %ne3A_27 : i1
    %add3A_33 = arith.addi %rem3A_25, %select_n3A_24 : i32
    %select_n3A_34 = arith.select %and3A_32, %add3A_33, %rem3A_25 : i32
    %mul3A_35 = arith.constant 168 : i32
    %mul3A_36 = arith.muli %select_n3A_34, %mul3A_35 : i32
    %add3A_37 = arith.addi %add3A_20, %mul3A_36 : i32
    %mul3A_38 = arith.constant 1344 : i32
    %mul3A_39 = arith.muli %select_n3A, %mul3A_38 : i32
    %jit3A_40 = arith.constant 8 : i32
    %eq3A_41 = arith.constant 0 : i32
    %eq3A_42 = arith.cmpi eq, %jit3A_40, %eq3A_41 : i32
    %jit3A_43 = arith.constant 1 : i32
    %select_n3A_44 = arith.select %eq3A_42, %jit3A_43, %jit3A_40 : i32
    %rem3A_45 = arith.remsi %add3A, %select_n3A_44 : i32
    %ne3A_46 = arith.constant 0 : i32
    %ne3A_47 = arith.cmpi ne, %rem3A_45, %ne3A_46 : i32
    %lt3A_48 = arith.constant 0 : i32
    %lt3A_49 = arith.cmpi slt, %rem3A_45, %lt3A_48 : i32
    %lt3A_50 = arith.constant 0 : i32
    %lt3A_51 = arith.cmpi slt, %select_n3A_44, %lt3A_50 : i32
    %ne3A_52 = arith.xori %lt3A_49, %lt3A_51 : i1
    %and3A_53 = arith.andi %ne3A_52, %ne3A_47 : i1
    %add3A_54 = arith.addi %rem3A_45, %select_n3A_44 : i32
    %select_n3A_55 = arith.select %and3A_53, %add3A_54, %rem3A_45 : i32
    %mul3A_56 = arith.constant 168 : i32
    %mul3A_57 = arith.muli %select_n3A_55, %mul3A_56 : i32
    %add3A_58 = arith.addi %mul3A_39, %mul3A_57 : i32
    "tpu.region"() ({
      %run_scoped3A = tpu.sem_alloc : memref<!tpu.dma_semaphore, #tpu.memory_space<semaphore_mem>>
      tpu.enqueue_dma source(%arg4 : memref<256xi32, #tpu.memory_space<hbm>>) target(%arg6 : memref<256xi32, #tpu.memory_space<vmem>>) target_semaphore(%run_scoped3A : memref<!tpu.dma_semaphore, #tpu.memory_space<semaphore_mem>>)
      tpu.wait_dma2 semaphore(%run_scoped3A : memref<!tpu.dma_semaphore, #tpu.memory_space<semaphore_mem>>) src(%arg4 : memref<256xi32, #tpu.memory_space<hbm>>) dst(%arg6 : memref<256xi32, #tpu.memory_space<vmem>>)
      tpu.yield
    }) : () -> ()
    %iota3A = tpu.iota {dimensions = array<i32: 0>} : vector<16xi32>
    %shift_right_arithmetic3A = arith.constant 1 : i32
    %shift_right_arithmetic3A_59 = vector.broadcast %shift_right_arithmetic3A : i32 to vector<16xi32>
    %shift_right_arithmetic3A_60 = arith.shrsi %iota3A, %shift_right_arithmetic3A_59 : vector<16xi32>
    %and3A_61 = arith.constant 1 : i32
    %and3A_62 = vector.broadcast %and3A_61 : i32 to vector<16xi32>
    %and3A_63 = arith.andi %iota3A, %and3A_62 : vector<16xi32>
    %mul3A_64 = arith.constant 64 : i32
    %mul3A_65 = arith.muli %select_n3A, %mul3A_64 : i32
    %add3A_66 = arith.constant 0 : i32
    %add3A_67 = arith.addi %mul3A_65, %add3A_66 : i32
    %get3A = arith.index_cast %add3A_67 : i32 to index
    %get3A_68 = tpu.vector_load %arg6[%get3A] {strides = array<i32>} : memref<256xi32, #tpu.memory_space<vmem>>, vector<16xi32>,
    %mul3A_69 = arith.constant 64 : i32
    %mul3A_70 = arith.muli %select_n3A, %mul3A_69 : i32
    %add3A_71 = arith.constant 16 : i32
    %add3A_72 = arith.addi %mul3A_70, %add3A_71 : i32
    %get3A_73 = arith.index_cast %add3A_72 : i32 to index
    %get3A_74 = tpu.vector_load %arg6[%get3A_73] {strides = array<i32>} : memref<256xi32, #tpu.memory_space<vmem>>, vector<16xi32>,
    %mul3A_75 = arith.constant 64 : i32
    %mul3A_76 = arith.muli %select_n3A, %mul3A_75 : i32
    %add3A_77 = arith.constant 32 : i32
    %add3A_78 = arith.addi %mul3A_76, %add3A_77 : i32
    %get3A_79 = arith.index_cast %add3A_78 : i32 to index
    %get3A_80 = tpu.vector_load %arg6[%get3A_79] {strides = array<i32>} : memref<256xi32, #tpu.memory_space<vmem>>, vector<16xi32>,
    %mul3A_81 = arith.constant 64 : i32
    %mul3A_82 = arith.muli %select_n3A, %mul3A_81 : i32
    %add3A_83 = arith.constant 48 : i32
    %add3A_84 = arith.addi %mul3A_82, %add3A_83 : i32
    %get3A_85 = arith.index_cast %add3A_84 : i32 to index
    %get3A_86 = tpu.vector_load %arg6[%get3A_85] {strides = array<i32>} : memref<256xi32, #tpu.memory_space<vmem>>, vector<16xi32>,
    %add3A_87 = arith.constant 0 : i32
    %add3A_88 = arith.addi %add3A_37, %add3A_87 : i32
    %dma_start3A = arith.constant 0 : i32
    %dma_start3A_89 = tpu.memref_slice %arg2[%add3A_88, %dma_start3A] : memref<12544x3136xf32, #tpu.memory_space<hbm>> -> memref<8x3136xf32, #tpu.memory_space<hbm>>
    %dma_start3A_90 = arith.constant 0 : i32
    %dma_start3A_91 = tpu.memref_slice %arg2[%add3A_88, %dma_start3A_90] : memref<12544x3136xf32, #tpu.memory_space<hbm>> -> memref<8x3136xf32, #tpu.memory_space<hbm>>
    tpu.enqueue_dma source(%dma_start3A_91 : memref<8x3136xf32, #tpu.memory_space<hbm>>) target(%arg7 : memref<8x3136xf32, #tpu.memory_space<vmem>>) target_semaphore(%arg11 : memref<!tpu.dma_semaphore, #tpu.memory_space<semaphore_mem>>)
    %scan3A = arith.constant 0 : i32
    %scan3A_92 = arith.constant 0 : i32
    %scan3A_93 = arith.constant 21 : i32
    %scan3A_94 = arith.addi %scan3A_92, %scan3A_93 : i32
    %scan3A_95 = arith.constant 1 : i32
    scf.for %scan3A_97 = %scan3A_92 to %scan3A_94 step %scan3A_95  : i32 {
      %jit3A_98 = arith.constant 7 : i32
      %eq3A_99 = arith.constant 0 : i32
      %eq3A_100 = arith.cmpi eq, %jit3A_98, %eq3A_99 : i32
      %jit3A_101 = arith.constant 1 : i32
      %select_n3A_102 = arith.select %eq3A_100, %jit3A_101, %jit3A_98 : i32
      %rem3A_103 = arith.remsi %scan3A_97, %select_n3A_102 : i32
      %ne3A_104 = arith.constant 0 : i32
      %ne3A_105 = arith.cmpi ne, %rem3A_103, %ne3A_104 : i32
      %lt3A_106 = arith.constant 0 : i32
      %lt3A_107 = arith.cmpi slt, %rem3A_103, %lt3A_106 : i32
      %lt3A_108 = arith.constant 0 : i32
      %lt3A_109 = arith.cmpi slt, %select_n3A_102, %lt3A_108 : i32
      %ne3A_110 = arith.xori %lt3A_107, %lt3A_109 : i1
      %and3A_111 = arith.andi %ne3A_110, %ne3A_105 : i1
      %add3A_112 = arith.addi %rem3A_103, %select_n3A_102 : i32
      %select_n3A_113 = arith.select %and3A_111, %add3A_112, %rem3A_103 : i32
      %eq3A_114 = arith.constant 0 : i32
      %eq3A_115 = arith.cmpi eq, %select_n3A_113, %eq3A_114 : i32
      %convert_element_type3A = arith.extui %eq3A_115 : i1 to i32
      %cond3A = arith.constant 0 : i32
      %cond3A_116 = arith.cmpi ne, %convert_element_type3A, %cond3A : i32
      scf.if %cond3A_116 {
        %jit3A_185 = arith.constant 7 : i32
        %div3A_186 = arith.divsi %scan3A_97, %jit3A_185 : i32
        %sign3A_187 = arith.constant 0 : i32
        %sign3A_188 = arith.cmpi sgt, %scan3A_97, %sign3A_187 : i32
        %sign3A_189 = arith.extui %sign3A_188 : i1 to i32
        %sign3A_190 = arith.constant 0 : i32
        %sign3A_191 = arith.cmpi slt, %scan3A_97, %sign3A_190 : i32
        %sign3A_192 = arith.extui %sign3A_191 : i1 to i32
        %sign3A_193 = arith.subi %sign3A_189, %sign3A_192 : i32
        %sign3A_194 = arith.constant 0 : i32
        %sign3A_195 = arith.cmpi sgt, %jit3A_185, %sign3A_194 : i32
        %sign3A_196 = arith.extui %sign3A_195 : i1 to i32
        %sign3A_197 = arith.constant 0 : i32
        %sign3A_198 = arith.cmpi slt, %jit3A_185, %sign3A_197 : i32
        %sign3A_199 = arith.extui %sign3A_198 : i1 to i32
        %sign3A_200 = arith.subi %sign3A_196, %sign3A_199 : i32
        %ne3A_201 = arith.cmpi ne, %sign3A_193, %sign3A_200 : i32
        %rem3A_202 = arith.remsi %scan3A_97, %jit3A_185 : i32
        %ne3A_203 = arith.constant 0 : i32
        %ne3A_204 = arith.cmpi ne, %rem3A_202, %ne3A_203 : i32
        %and3A_205 = arith.andi %ne3A_201, %ne3A_204 : i1
        %sub3A_206 = arith.constant 1 : i32
        %sub3A_207 = arith.subi %div3A_186, %sub3A_206 : i32
        %select_n3A_208 = arith.select %and3A_205, %sub3A_207, %div3A_186 : i32
        %mul3A_209 = arith.constant 56 : i32
        %mul3A_210 = arith.muli %select_n3A_208, %mul3A_209 : i32
        %add3A_211 = arith.addi %add3A_37, %mul3A_210 : i32
        "tpu.region"() ({
          %run_scoped3A = tpu.sem_alloc : memref<!tpu.dma_semaphore, #tpu.memory_space<semaphore_mem>>
          %dma_start3A_260 = arith.constant 0 : i32
          %dma_start3A_261 = tpu.memref_slice %arg3[%add3A_211, %dma_start3A_260] : memref<12544x2xf32, #tpu.memory_space<hbm>> -> memref<56x2xf32, #tpu.memory_space<hbm>>
          %dma_start3A_262 = arith.constant 0 : i32
          %dma_start3A_263 = tpu.memref_slice %arg3[%add3A_211, %dma_start3A_262] : memref<12544x2xf32, #tpu.memory_space<hbm>> -> memref<56x2xf32, #tpu.memory_space<hbm>>
          tpu.enqueue_dma source(%dma_start3A_263 : memref<56x2xf32, #tpu.memory_space<hbm>>) target(%arg9 : memref<56x2xf32, #tpu.memory_space<vmem>>) target_semaphore(%run_scoped3A : memref<!tpu.dma_semaphore, #tpu.memory_space<semaphore_mem>>)
          %dma_wait3A = arith.constant 0 : i32
          %dma_wait3A_264 = tpu.memref_slice %arg3[%add3A_211, %dma_wait3A] : memref<12544x2xf32, #tpu.memory_space<hbm>> -> memref<56x2xf32, #tpu.memory_space<hbm>>
          %dma_wait3A_265 = arith.constant 0 : i32
          %dma_wait3A_266 = tpu.memref_slice %arg3[%add3A_211, %dma_wait3A_265] : memref<12544x2xf32, #tpu.memory_space<hbm>> -> memref<56x2xf32, #tpu.memory_space<hbm>>
          tpu.wait_dma2 semaphore(%run_scoped3A : memref<!tpu.dma_semaphore, #tpu.memory_space<semaphore_mem>>) src(%dma_wait3A_266 : memref<56x2xf32, #tpu.memory_space<hbm>>) dst(%arg9 : memref<56x2xf32, #tpu.memory_space<vmem>>)
          tpu.yield
        }) : () -> ()
        %add3A_212 = arith.constant 0 : i32
        %add3A_213 = vector.broadcast %add3A_212 : i32 to vector<16xi32>
        %add3A_214 = arith.addi %add3A_213, %shift_right_arithmetic3A_60 : vector<16xi32>
        %gather3A = tpu.vector_load_idx %arg9[%add3A_214, %and3A_63] : memref<56x2xf32, #tpu.memory_space<vmem>>[vector<16xi32>, vector<16xi32>], vector<16xf32>,
        %add3A_215 = arith.constant 0 : i32
        %add3A_216 = vector.broadcast %add3A_215 : i32 to vector<16xi32>
        %add3A_217 = arith.addi %add3A_216, %shift_right_arithmetic3A_60 : vector<16xi32>
        tpu.vector_store_idx %arg10[%add3A_217, %and3A_63], %gather3A : memref<56x66xf32, #tpu.memory_space<vmem>>[vector<16xi32>, vector<16xi32>], vector<16xf32>,
        %add3A_218 = arith.constant 8 : i32
        %add3A_219 = vector.broadcast %add3A_218 : i32 to vector<16xi32>
        %add3A_220 = arith.addi %add3A_219, %shift_right_arithmetic3A_60 : vector<16xi32>
        %gather3A_221 = tpu.vector_load_idx %arg9[%add3A_220, %and3A_63] : memref<56x2xf32, #tpu.memory_space<vmem>>[vector<16xi32>, vector<16xi32>], vector<16xf32>,
        %add3A_222 = arith.constant 8 : i32
        %add3A_223 = vector.broadcast %add3A_222 : i32 to vector<16xi32>
        %add3A_224 = arith.addi %add3A_223, %shift_right_arithmetic3A_60 : vector<16xi32>
        tpu.vector_store_idx %arg10[%add3A_224, %and3A_63], %gather3A_221 : memref<56x66xf32, #tpu.memory_space<vmem>>[vector<16xi32>, vector<16xi32>], vector<16xf32>,
        %add3A_225 = arith.constant 16 : i32
        %add3A_226 = vector.broadcast %add3A_225 : i32 to vector<16xi32>
        %add3A_227 = arith.addi %add3A_226, %shift_right_arithmetic3A_60 : vector<16xi32>
        %gather3A_228 = tpu.vector_load_idx %arg9[%add3A_227, %and3A_63] : memref<56x2xf32, #tpu.memory_space<vmem>>[vector<16xi32>, vector<16xi32>], vector<16xf32>,
        %add3A_229 = arith.constant 16 : i32
        %add3A_230 = vector.broadcast %add3A_229 : i32 to vector<16xi32>
        %add3A_231 = arith.addi %add3A_230, %shift_right_arithmetic3A_60 : vector<16xi32>
        tpu.vector_store_idx %arg10[%add3A_231, %and3A_63], %gather3A_228 : memref<56x66xf32, #tpu.memory_space<vmem>>[vector<16xi32>, vector<16xi32>], vector<16xf32>,
        %add3A_232 = arith.constant 24 : i32
        %add3A_233 = vector.broadcast %add3A_232 : i32 to vector<16xi32>
        %add3A_234 = arith.addi %add3A_233, %shift_right_arithmetic3A_60 : vector<16xi32>
        %gather3A_235 = tpu.vector_load_idx %arg9[%add3A_234, %and3A_63] : memref<56x2xf32, #tpu.memory_space<vmem>>[vector<16xi32>, vector<16xi32>], vector<16xf32>,
        %add3A_236 = arith.constant 24 : i32
        %add3A_237 = vector.broadcast %add3A_236 : i32 to vector<16xi32>
        %add3A_238 = arith.addi %add3A_237, %shift_right_arithmetic3A_60 : vector<16xi32>
        tpu.vector_store_idx %arg10[%add3A_238, %and3A_63], %gather3A_235 : memref<56x66xf32, #tpu.memory_space<vmem>>[vector<16xi32>, vector<16xi32>], vector<16xf32>,
        %add3A_239 = arith.constant 32 : i32
        %add3A_240 = vector.broadcast %add3A_239 : i32 to vector<16xi32>
        %add3A_241 = arith.addi %add3A_240, %shift_right_arithmetic3A_60 : vector<16xi32>
        %gather3A_242 = tpu.vector_load_idx %arg9[%add3A_241, %and3A_63] : memref<56x2xf32, #tpu.memory_space<vmem>>[vector<16xi32>, vector<16xi32>], vector<16xf32>,
        %add3A_243 = arith.constant 32 : i32
        %add3A_244 = vector.broadcast %add3A_243 : i32 to vector<16xi32>
        %add3A_245 = arith.addi %add3A_244, %shift_right_arithmetic3A_60 : vector<16xi32>
        tpu.vector_store_idx %arg10[%add3A_245, %and3A_63], %gather3A_242 : memref<56x66xf32, #tpu.memory_space<vmem>>[vector<16xi32>, vector<16xi32>], vector<16xf32>,
        %add3A_246 = arith.constant 40 : i32
        %add3A_247 = vector.broadcast %add3A_246 : i32 to vector<16xi32>
        %add3A_248 = arith.addi %add3A_247, %shift_right_arithmetic3A_60 : vector<16xi32>
        %gather3A_249 = tpu.vector_load_idx %arg9[%add3A_248, %and3A_63] : memref<56x2xf32, #tpu.memory_space<vmem>>[vector<16xi32>, vector<16xi32>], vector<16xf32>,
        %add3A_250 = arith.constant 40 : i32
        %add3A_251 = vector.broadcast %add3A_250 : i32 to vector<16xi32>
        %add3A_252 = arith.addi %add3A_251, %shift_right_arithmetic3A_60 : vector<16xi32>
        tpu.vector_store_idx %arg10[%add3A_252, %and3A_63], %gather3A_249 : memref<56x66xf32, #tpu.memory_space<vmem>>[vector<16xi32>, vector<16xi32>], vector<16xf32>,
        %add3A_253 = arith.constant 48 : i32
        %add3A_254 = vector.broadcast %add3A_253 : i32 to vector<16xi32>
        %add3A_255 = arith.addi %add3A_254, %shift_right_arithmetic3A_60 : vector<16xi32>
        %gather3A_256 = tpu.vector_load_idx %arg9[%add3A_255, %and3A_63] : memref<56x2xf32, #tpu.memory_space<vmem>>[vector<16xi32>, vector<16xi32>], vector<16xf32>,
        %add3A_257 = arith.constant 48 : i32
        %add3A_258 = vector.broadcast %add3A_257 : i32 to vector<16xi32>
        %add3A_259 = arith.addi %add3A_258, %shift_right_arithmetic3A_60 : vector<16xi32>
        tpu.vector_store_idx %arg10[%add3A_259, %and3A_63], %gather3A_256 : memref<56x66xf32, #tpu.memory_space<vmem>>[vector<16xi32>, vector<16xi32>], vector<16xf32>,
      } else {
      }
      %lt3A_117 = arith.constant 20 : i32
      %lt3A_118 = arith.cmpi slt, %scan3A_97, %lt3A_117 : i32
      %convert_element_type3A_119 = arith.extui %lt3A_118 : i1 to i32
      %cond3A_120 = arith.constant 0 : i32
      %cond3A_121 = arith.cmpi ne, %convert_element_type3A_119, %cond3A_120 : i32
      scf.if %cond3A_121 {
        %jit3A_185 = arith.constant 2 : i32
        %eq3A_186 = arith.constant 0 : i32
        %eq3A_187 = arith.cmpi eq, %jit3A_185, %eq3A_186 : i32
        %jit3A_188 = arith.constant 1 : i32
        %select_n3A_189 = arith.select %eq3A_187, %jit3A_188, %jit3A_185 : i32
        %rem3A_190 = arith.remsi %scan3A_97, %select_n3A_189 : i32
        %ne3A_191 = arith.constant 0 : i32
        %ne3A_192 = arith.cmpi ne, %rem3A_190, %ne3A_191 : i32
        %lt3A_193 = arith.constant 0 : i32
        %lt3A_194 = arith.cmpi slt, %rem3A_190, %lt3A_193 : i32
        %lt3A_195 = arith.constant 0 : i32
        %lt3A_196 = arith.cmpi slt, %select_n3A_189, %lt3A_195 : i32
        %ne3A_197 = arith.xori %lt3A_194, %lt3A_196 : i1
        %and3A_198 = arith.andi %ne3A_197, %ne3A_192 : i1
        %add3A_199 = arith.addi %rem3A_190, %select_n3A_189 : i32
        %select_n3A_200 = arith.select %and3A_198, %add3A_199, %rem3A_190 : i32
        %eq3A_201 = arith.constant 0 : i32
        %eq3A_202 = arith.cmpi eq, %select_n3A_200, %eq3A_201 : i32
        %convert_element_type3A_203 = arith.extui %eq3A_202 : i1 to i32
        %cond3A_204 = arith.constant 0 : i32
        %cond3A_205 = arith.cmpi ne, %convert_element_type3A_203, %cond3A_204 : i32
        scf.if %cond3A_205 {
          %add3A_227 = arith.constant 1 : i32
          %add3A_228 = arith.addi %scan3A_97, %add3A_227 : i32
          %mul3A_229 = arith.constant 8 : i32
          %mul3A_230 = arith.muli %add3A_228, %mul3A_229 : i32
          %add3A_231 = arith.addi %add3A_37, %mul3A_230 : i32
          %dma_start3A_232 = arith.constant 0 : i32
          %dma_start3A_233 = tpu.memref_slice %arg2[%add3A_231, %dma_start3A_232] : memref<12544x3136xf32, #tpu.memory_space<hbm>> -> memref<8x3136xf32, #tpu.memory_space<hbm>>
          %dma_start3A_234 = arith.constant 0 : i32
          %dma_start3A_235 = tpu.memref_slice %arg2[%add3A_231, %dma_start3A_234] : memref<12544x3136xf32, #tpu.memory_space<hbm>> -> memref<8x3136xf32, #tpu.memory_space<hbm>>
          tpu.enqueue_dma source(%dma_start3A_235 : memref<8x3136xf32, #tpu.memory_space<hbm>>) target(%arg8 : memref<8x3136xf32, #tpu.memory_space<vmem>>) target_semaphore(%arg12 : memref<!tpu.dma_semaphore, #tpu.memory_space<semaphore_mem>>)
        } else {
        }
        %jit3A_206 = arith.constant 2 : i32
        %eq3A_207 = arith.constant 0 : i32
        %eq3A_208 = arith.cmpi eq, %jit3A_206, %eq3A_207 : i32
        %jit3A_209 = arith.constant 1 : i32
        %select_n3A_210 = arith.select %eq3A_208, %jit3A_209, %jit3A_206 : i32
        %rem3A_211 = arith.remsi %scan3A_97, %select_n3A_210 : i32
        %ne3A_212 = arith.constant 0 : i32
        %ne3A_213 = arith.cmpi ne, %rem3A_211, %ne3A_212 : i32
        %lt3A_214 = arith.constant 0 : i32
        %lt3A_215 = arith.cmpi slt, %rem3A_211, %lt3A_214 : i32
        %lt3A_216 = arith.constant 0 : i32
        %lt3A_217 = arith.cmpi slt, %select_n3A_210, %lt3A_216 : i32
        %ne3A_218 = arith.xori %lt3A_215, %lt3A_217 : i1
        %and3A_219 = arith.andi %ne3A_218, %ne3A_213 : i1
        %add3A_220 = arith.addi %rem3A_211, %select_n3A_210 : i32
        %select_n3A_221 = arith.select %and3A_219, %add3A_220, %rem3A_211 : i32
        %eq3A_222 = arith.constant 1 : i32
        %eq3A_223 = arith.cmpi eq, %select_n3A_221, %eq3A_222 : i32
        %convert_element_type3A_224 = arith.extui %eq3A_223 : i1 to i32
        %cond3A_225 = arith.constant 0 : i32
        %cond3A_226 = arith.cmpi ne, %convert_element_type3A_224, %cond3A_225 : i32
        scf.if %cond3A_226 {
          %add3A_227 = arith.constant 1 : i32
          %add3A_228 = arith.addi %scan3A_97, %add3A_227 : i32
          %mul3A_229 = arith.constant 8 : i32
          %mul3A_230 = arith.muli %add3A_228, %mul3A_229 : i32
          %add3A_231 = arith.addi %add3A_37, %mul3A_230 : i32
          %dma_start3A_232 = arith.constant 0 : i32
          %dma_start3A_233 = tpu.memref_slice %arg2[%add3A_231, %dma_start3A_232] : memref<12544x3136xf32, #tpu.memory_space<hbm>> -> memref<8x3136xf32, #tpu.memory_space<hbm>>
          %dma_start3A_234 = arith.constant 0 : i32
          %dma_start3A_235 = tpu.memref_slice %arg2[%add3A_231, %dma_start3A_234] : memref<12544x3136xf32, #tpu.memory_space<hbm>> -> memref<8x3136xf32, #tpu.memory_space<hbm>>
          tpu.enqueue_dma source(%dma_start3A_235 : memref<8x3136xf32, #tpu.memory_space<hbm>>) target(%arg7 : memref<8x3136xf32, #tpu.memory_space<vmem>>) target_semaphore(%arg11 : memref<!tpu.dma_semaphore, #tpu.memory_space<semaphore_mem>>)
        } else {
        }
      } else {
      }
      %jit3A_122 = arith.constant 2 : i32
      %eq3A_123 = arith.constant 0 : i32
      %eq3A_124 = arith.cmpi eq, %jit3A_122, %eq3A_123 : i32
      %jit3A_125 = arith.constant 1 : i32
      %select_n3A_126 = arith.select %eq3A_124, %jit3A_125, %jit3A_122 : i32
      %rem3A_127 = arith.remsi %scan3A_97, %select_n3A_126 : i32
      %ne3A_128 = arith.constant 0 : i32
      %ne3A_129 = arith.cmpi ne, %rem3A_127, %ne3A_128 : i32
      %lt3A_130 = arith.constant 0 : i32
      %lt3A_131 = arith.cmpi slt, %rem3A_127, %lt3A_130 : i32
      %lt3A_132 = arith.constant 0 : i32
      %lt3A_133 = arith.cmpi slt, %select_n3A_126, %lt3A_132 : i32
      %ne3A_134 = arith.xori %lt3A_131, %lt3A_133 : i1
      %and3A_135 = arith.andi %ne3A_134, %ne3A_129 : i1
      %add3A_136 = arith.addi %rem3A_127, %select_n3A_126 : i32
      %select_n3A_137 = arith.select %and3A_135, %add3A_136, %rem3A_127 : i32
      %eq3A_138 = arith.constant 0 : i32
      %eq3A_139 = arith.cmpi eq, %select_n3A_137, %eq3A_138 : i32
      %convert_element_type3A_140 = arith.extui %eq3A_139 : i1 to i32
      %cond3A_141 = arith.constant 0 : i32
      %cond3A_142 = arith.cmpi ne, %convert_element_type3A_140, %cond3A_141 : i32
      scf.if %cond3A_142 {
        %mul3A_185 = arith.constant 8 : i32
        %mul3A_186 = arith.muli %scan3A_97, %mul3A_185 : i32
        %add3A_187 = arith.addi %add3A_37, %mul3A_186 : i32
        %dma_wait3A = arith.constant 0 : i32
        %dma_wait3A_188 = tpu.memref_slice %arg2[%add3A_187, %dma_wait3A] : memref<12544x3136xf32, #tpu.memory_space<hbm>> -> memref<8x3136xf32, #tpu.memory_space<hbm>>
        %dma_wait3A_189 = arith.constant 0 : i32
        %dma_wait3A_190 = tpu.memref_slice %arg2[%add3A_187, %dma_wait3A_189] : memref<12544x3136xf32, #tpu.memory_space<hbm>> -> memref<8x3136xf32, #tpu.memory_space<hbm>>
        tpu.wait_dma2 semaphore(%arg11 : memref<!tpu.dma_semaphore, #tpu.memory_space<semaphore_mem>>) src(%dma_wait3A_190 : memref<8x3136xf32, #tpu.memory_space<hbm>>) dst(%arg7 : memref<8x3136xf32, #tpu.memory_space<vmem>>)
        %jit3A_191 = arith.constant 7 : i32
        %eq3A_192 = arith.constant 0 : i32
        %eq3A_193 = arith.cmpi eq, %jit3A_191, %eq3A_192 : i32
        %jit3A_194 = arith.constant 1 : i32
        %select_n3A_195 = arith.select %eq3A_193, %jit3A_194, %jit3A_191 : i32
        %rem3A_196 = arith.remsi %scan3A_97, %select_n3A_195 : i32
        %ne3A_197 = arith.constant 0 : i32
        %ne3A_198 = arith.cmpi ne, %rem3A_196, %ne3A_197 : i32
        %lt3A_199 = arith.constant 0 : i32
        %lt3A_200 = arith.cmpi slt, %rem3A_196, %lt3A_199 : i32
        %lt3A_201 = arith.constant 0 : i32
        %lt3A_202 = arith.cmpi slt, %select_n3A_195, %lt3A_201 : i32
        %ne3A_203 = arith.xori %lt3A_200, %lt3A_202 : i1
        %and3A_204 = arith.andi %ne3A_203, %ne3A_198 : i1
        %add3A_205 = arith.addi %rem3A_196, %select_n3A_195 : i32
        %select_n3A_206 = arith.select %and3A_204, %add3A_205, %rem3A_196 : i32
        %add3A_207 = arith.constant 2 : i32
        %add3A_208 = vector.broadcast %add3A_207 : i32 to vector<16xi32>
        %add3A_209 = arith.addi %add3A_208, %iota3A : vector<16xi32>
        %mul3A_210 = arith.constant 8 : i32
        %mul3A_211 = arith.muli %select_n3A_206, %mul3A_210 : i32
        %add3A_212 = arith.constant 0 : i32
        %add3A_213 = arith.addi %mul3A_211, %add3A_212 : i32
        %broadcast_in_dim3A = vector.broadcast %add3A_213 : i32 to vector<16xi32>
        %broadcast_in_dim3A_214 = arith.constant 0 : i32
        %broadcast_in_dim3A_215 = vector.broadcast %broadcast_in_dim3A_214 : i32 to vector<16xi32>
        %gather3A = tpu.vector_load_idx %arg7[%broadcast_in_dim3A_215, %get3A_68] : memref<8x3136xf32, #tpu.memory_space<vmem>>[vector<16xi32>, vector<16xi32>], vector<16xf32>,
        tpu.vector_store_idx %arg10[%broadcast_in_dim3A, %add3A_209], %gather3A : memref<56x66xf32, #tpu.memory_space<vmem>>[vector<16xi32>, vector<16xi32>], vector<16xf32>,
        %mul3A_216 = arith.constant 8 : i32
        %mul3A_217 = arith.muli %select_n3A_206, %mul3A_216 : i32
        %add3A_218 = arith.constant 1 : i32
        %add3A_219 = arith.addi %mul3A_217, %add3A_218 : i32
        %broadcast_in_dim3A_220 = vector.broadcast %add3A_219 : i32 to vector<16xi32>
        %broadcast_in_dim3A_221 = arith.constant 1 : i32
        %broadcast_in_dim3A_222 = vector.broadcast %broadcast_in_dim3A_221 : i32 to vector<16xi32>
        %gather3A_223 = tpu.vector_load_idx %arg7[%broadcast_in_dim3A_222, %get3A_68] : memref<8x3136xf32, #tpu.memory_space<vmem>>[vector<16xi32>, vector<16xi32>], vector<16xf32>,
        tpu.vector_store_idx %arg10[%broadcast_in_dim3A_220, %add3A_209], %gather3A_223 : memref<56x66xf32, #tpu.memory_space<vmem>>[vector<16xi32>, vector<16xi32>], vector<16xf32>,
        %mul3A_224 = arith.constant 8 : i32
        %mul3A_225 = arith.muli %select_n3A_206, %mul3A_224 : i32
        %add3A_226 = arith.constant 2 : i32
        %add3A_227 = arith.addi %mul3A_225, %add3A_226 : i32
        %broadcast_in_dim3A_228 = vector.broadcast %add3A_227 : i32 to vector<16xi32>
        %broadcast_in_dim3A_229 = arith.constant 2 : i32
        %broadcast_in_dim3A_230 = vector.broadcast %broadcast_in_dim3A_229 : i32 to vector<16xi32>
        %gather3A_231 = tpu.vector_load_idx %arg7[%broadcast_in_dim3A_230, %get3A_68] : memref<8x3136xf32, #tpu.memory_space<vmem>>[vector<16xi32>, vector<16xi32>], vector<16xf32>,
        tpu.vector_store_idx %arg10[%broadcast_in_dim3A_228, %add3A_209], %gather3A_231 : memref<56x66xf32, #tpu.memory_space<vmem>>[vector<16xi32>, vector<16xi32>], vector<16xf32>,
        %mul3A_232 = arith.constant 8 : i32
        %mul3A_233 = arith.muli %select_n3A_206, %mul3A_232 : i32
        %add3A_234 = arith.constant 3 : i32
        %add3A_235 = arith.addi %mul3A_233, %add3A_234 : i32
        %broadcast_in_dim3A_236 = vector.broadcast %add3A_235 : i32 to vector<16xi32>
        %broadcast_in_dim3A_237 = arith.constant 3 : i32
        %broadcast_in_dim3A_238 = vector.broadcast %broadcast_in_dim3A_237 : i32 to vector<16xi32>
        %gather3A_239 = tpu.vector_load_idx %arg7[%broadcast_in_dim3A_238, %get3A_68] : memref<8x3136xf32, #tpu.memory_space<vmem>>[vector<16xi32>, vector<16xi32>], vector<16xf32>,
        tpu.vector_store_idx %arg10[%broadcast_in_dim3A_236, %add3A_209], %gather3A_239 : memref<56x66xf32, #tpu.memory_space<vmem>>[vector<16xi32>, vector<16xi32>], vector<16xf32>,
        %mul3A_240 = arith.constant 8 : i32
        %mul3A_241 = arith.muli %select_n3A_206, %mul3A_240 : i32
        %add3A_242 = arith.constant 4 : i32
        %add3A_243 = arith.addi %mul3A_241, %add3A_242 : i32
        %broadcast_in_dim3A_244 = vector.broadcast %add3A_243 : i32 to vector<16xi32>
        %broadcast_in_dim3A_245 = arith.constant 4 : i32
        %broadcast_in_dim3A_246 = vector.broadcast %broadcast_in_dim3A_245 : i32 to vector<16xi32>
        %gather3A_247 = tpu.vector_load_idx %arg7[%broadcast_in_dim3A_246, %get3A_68] : memref<8x3136xf32, #tpu.memory_space<vmem>>[vector<16xi32>, vector<16xi32>], vector<16xf32>,
        tpu.vector_store_idx %arg10[%broadcast_in_dim3A_244, %add3A_209], %gather3A_247 : memref<56x66xf32, #tpu.memory_space<vmem>>[vector<16xi32>, vector<16xi32>], vector<16xf32>,
        %mul3A_248 = arith.constant 8 : i32
        %mul3A_249 = arith.muli %select_n3A_206, %mul3A_248 : i32
        %add3A_250 = arith.constant 5 : i32
        %add3A_251 = arith.addi %mul3A_249, %add3A_250 : i32
        %broadcast_in_dim3A_252 = vector.broadcast %add3A_251 : i32 to vector<16xi32>
        %broadcast_in_dim3A_253 = arith.constant 5 : i32
        %broadcast_in_dim3A_254 = vector.broadcast %broadcast_in_dim3A_253 : i32 to vector<16xi32>
        %gather3A_255 = tpu.vector_load_idx %arg7[%broadcast_in_dim3A_254, %get3A_68] : memref<8x3136xf32, #tpu.memory_space<vmem>>[vector<16xi32>, vector<16xi32>], vector<16xf32>,
        tpu.vector_store_idx %arg10[%broadcast_in_dim3A_252, %add3A_209], %gather3A_255 : memref<56x66xf32, #tpu.memory_space<vmem>>[vector<16xi32>, vector<16xi32>], vector<16xf32>,
        %mul3A_256 = arith.constant 8 : i32
        %mul3A_257 = arith.muli %select_n3A_206, %mul3A_256 : i32
        %add3A_258 = arith.constant 6 : i32
        %add3A_259 = arith.addi %mul3A_257, %add3A_258 : i32
        %broadcast_in_dim3A_260 = vector.broadcast %add3A_259 : i32 to vector<16xi32>
        %broadcast_in_dim3A_261 = arith.constant 6 : i32
        %broadcast_in_dim3A_262 = vector.broadcast %broadcast_in_dim3A_261 : i32 to vector<16xi32>
        %gather3A_263 = tpu.vector_load_idx %arg7[%broadcast_in_dim3A_262, %get3A_68] : memref<8x3136xf32, #tpu.memory_space<vmem>>[vector<16xi32>, vector<16xi32>], vector<16xf32>,
        tpu.vector_store_idx %arg10[%broadcast_in_dim3A_260, %add3A_209], %gather3A_263 : memref<56x66xf32, #tpu.memory_space<vmem>>[vector<16xi32>, vector<16xi32>], vector<16xf32>,
        %mul3A_264 = arith.constant 8 : i32
        %mul3A_265 = arith.muli %select_n3A_206, %mul3A_264 : i32
        %add3A_266 = arith.constant 7 : i32
        %add3A_267 = arith.addi %mul3A_265, %add3A_266 : i32
        %broadcast_in_dim3A_268 = vector.broadcast %add3A_267 : i32 to vector<16xi32>
        %broadcast_in_dim3A_269 = arith.constant 7 : i32
        %broadcast_in_dim3A_270 = vector.broadcast %broadcast_in_dim3A_269 : i32 to vector<16xi32>
        %gather3A_271 = tpu.vector_load_idx %arg7[%broadcast_in_dim3A_270, %get3A_68] : memref<8x3136xf32, #tpu.memory_space<vmem>>[vector<16xi32>, vector<16xi32>], vector<16xf32>,
        tpu.vector_store_idx %arg10[%broadcast_in_dim3A_268, %add3A_209], %gather3A_271 : memref<56x66xf32, #tpu.memory_space<vmem>>[vector<16xi32>, vector<16xi32>], vector<16xf32>,
        %add3A_272 = arith.constant 18 : i32
        %add3A_273 = vector.broadcast %add3A_272 : i32 to vector<16xi32>
        %add3A_274 = arith.addi %add3A_273, %iota3A : vector<16xi32>
        %mul3A_275 = arith.constant 8 : i32
        %mul3A_276 = arith.muli %select_n3A_206, %mul3A_275 : i32
        %add3A_277 = arith.constant 0 : i32
        %add3A_278 = arith.addi %mul3A_276, %add3A_277 : i32
        %broadcast_in_dim3A_279 = vector.broadcast %add3A_278 : i32 to vector<16xi32>
        %broadcast_in_dim3A_280 = arith.constant 0 : i32
        %broadcast_in_dim3A_281 = vector.broadcast %broadcast_in_dim3A_280 : i32 to vector<16xi32>
        %gather3A_282 = tpu.vector_load_idx %arg7[%broadcast_in_dim3A_281, %get3A_74] : memref<8x3136xf32, #tpu.memory_space<vmem>>[vector<16xi32>, vector<16xi32>], vector<16xf32>,
        tpu.vector_store_idx %arg10[%broadcast_in_dim3A_279, %add3A_274], %gather3A_282 : memref<56x66xf32, #tpu.memory_space<vmem>>[vector<16xi32>, vector<16xi32>], vector<16xf32>,
        %mul3A_283 = arith.constant 8 : i32
        %mul3A_284 = arith.muli %select_n3A_206, %mul3A_283 : i32
        %add3A_285 = arith.constant 1 : i32
        %add3A_286 = arith.addi %mul3A_284, %add3A_285 : i32
        %broadcast_in_dim3A_287 = vector.broadcast %add3A_286 : i32 to vector<16xi32>
        %broadcast_in_dim3A_288 = arith.constant 1 : i32
        %broadcast_in_dim3A_289 = vector.broadcast %broadcast_in_dim3A_288 : i32 to vector<16xi32>
        %gather3A_290 = tpu.vector_load_idx %arg7[%broadcast_in_dim3A_289, %get3A_74] : memref<8x3136xf32, #tpu.memory_space<vmem>>[vector<16xi32>, vector<16xi32>], vector<16xf32>,
        tpu.vector_store_idx %arg10[%broadcast_in_dim3A_287, %add3A_274], %gather3A_290 : memref<56x66xf32, #tpu.memory_space<vmem>>[vector<16xi32>, vector<16xi32>], vector<16xf32>,
        %mul3A_291 = arith.constant 8 : i32
        %mul3A_292 = arith.muli %select_n3A_206, %mul3A_291 : i32
        %add3A_293 = arith.constant 2 : i32
        %add3A_294 = arith.addi %mul3A_292, %add3A_293 : i32
        %broadcast_in_dim3A_295 = vector.broadcast %add3A_294 : i32 to vector<16xi32>
        %broadcast_in_dim3A_296 = arith.constant 2 : i32
        %broadcast_in_dim3A_297 = vector.broadcast %broadcast_in_dim3A_296 : i32 to vector<16xi32>
        %gather3A_298 = tpu.vector_load_idx %arg7[%broadcast_in_dim3A_297, %get3A_74] : memref<8x3136xf32, #tpu.memory_space<vmem>>[vector<16xi32>, vector<16xi32>], vector<16xf32>,
        tpu.vector_store_idx %arg10[%broadcast_in_dim3A_295, %add3A_274], %gather3A_298 : memref<56x66xf32, #tpu.memory_space<vmem>>[vector<16xi32>, vector<16xi32>], vector<16xf32>,
        %mul3A_299 = arith.constant 8 : i32
        %mul3A_300 = arith.muli %select_n3A_206, %mul3A_299 : i32
        %add3A_301 = arith.constant 3 : i32
        %add3A_302 = arith.addi %mul3A_300, %add3A_301 : i32
        %broadcast_in_dim3A_303 = vector.broadcast %add3A_302 : i32 to vector<16xi32>
        %broadcast_in_dim3A_304 = arith.constant 3 : i32
        %broadcast_in_dim3A_305 = vector.broadcast %broadcast_in_dim3A_304 : i32 to vector<16xi32>
        %gather3A_306 = tpu.vector_load_idx %arg7[%broadcast_in_dim3A_305, %get3A_74] : memref<8x3136xf32, #tpu.memory_space<vmem>>[vector<16xi32>, vector<16xi32>], vector<16xf32>,
        tpu.vector_store_idx %arg10[%broadcast_in_dim3A_303, %add3A_274], %gather3A_306 : memref<56x66xf32, #tpu.memory_space<vmem>>[vector<16xi32>, vector<16xi32>], vector<16xf32>,
        %mul3A_307 = arith.constant 8 : i32
        %mul3A_308 = arith.muli %select_n3A_206, %mul3A_307 : i32
        %add3A_309 = arith.constant 4 : i32
        %add3A_310 = arith.addi %mul3A_308, %add3A_309 : i32
        %broadcast_in_dim3A_311 = vector.broadcast %add3A_310 : i32 to vector<16xi32>
        %broadcast_in_dim3A_312 = arith.constant 4 : i32
        %broadcast_in_dim3A_313 = vector.broadcast %broadcast_in_dim3A_312 : i32 to vector<16xi32>
        %gather3A_314 = tpu.vector_load_idx %arg7[%broadcast_in_dim3A_313, %get3A_74] : memref<8x3136xf32, #tpu.memory_space<vmem>>[vector<16xi32>, vector<16xi32>], vector<16xf32>,
        tpu.vector_store_idx %arg10[%broadcast_in_dim3A_311, %add3A_274], %gather3A_314 : memref<56x66xf32, #tpu.memory_space<vmem>>[vector<16xi32>, vector<16xi32>], vector<16xf32>,
        %mul3A_315 = arith.constant 8 : i32
        %mul3A_316 = arith.muli %select_n3A_206, %mul3A_315 : i32
        %add3A_317 = arith.constant 5 : i32
        %add3A_318 = arith.addi %mul3A_316, %add3A_317 : i32
        %broadcast_in_dim3A_319 = vector.broadcast %add3A_318 : i32 to vector<16xi32>
        %broadcast_in_dim3A_320 = arith.constant 5 : i32
        %broadcast_in_dim3A_321 = vector.broadcast %broadcast_in_dim3A_320 : i32 to vector<16xi32>
        %gather3A_322 = tpu.vector_load_idx %arg7[%broadcast_in_dim3A_321, %get3A_74] : memref<8x3136xf32, #tpu.memory_space<vmem>>[vector<16xi32>, vector<16xi32>], vector<16xf32>,
        tpu.vector_store_idx %arg10[%broadcast_in_dim3A_319, %add3A_274], %gather3A_322 : memref<56x66xf32, #tpu.memory_space<vmem>>[vector<16xi32>, vector<16xi32>], vector<16xf32>,
        %mul3A_323 = arith.constant 8 : i32
        %mul3A_324 = arith.muli %select_n3A_206, %mul3A_323 : i32
        %add3A_325 = arith.constant 6 : i32
        %add3A_326 = arith.addi %mul3A_324, %add3A_325 : i32
        %broadcast_in_dim3A_327 = vector.broadcast %add3A_326 : i32 to vector<16xi32>
        %broadcast_in_dim3A_328 = arith.constant 6 : i32
        %broadcast_in_dim3A_329 = vector.broadcast %broadcast_in_dim3A_328 : i32 to vector<16xi32>
        %gather3A_330 = tpu.vector_load_idx %arg7[%broadcast_in_dim3A_329, %get3A_74] : memref<8x3136xf32, #tpu.memory_space<vmem>>[vector<16xi32>, vector<16xi32>], vector<16xf32>,
        tpu.vector_store_idx %arg10[%broadcast_in_dim3A_327, %add3A_274], %gather3A_330 : memref<56x66xf32, #tpu.memory_space<vmem>>[vector<16xi32>, vector<16xi32>], vector<16xf32>,
        %mul3A_331 = arith.constant 8 : i32
        %mul3A_332 = arith.muli %select_n3A_206, %mul3A_331 : i32
        %add3A_333 = arith.constant 7 : i32
        %add3A_334 = arith.addi %mul3A_332, %add3A_333 : i32
        %broadcast_in_dim3A_335 = vector.broadcast %add3A_334 : i32 to vector<16xi32>
        %broadcast_in_dim3A_336 = arith.constant 7 : i32
        %broadcast_in_dim3A_337 = vector.broadcast %broadcast_in_dim3A_336 : i32 to vector<16xi32>
        %gather3A_338 = tpu.vector_load_idx %arg7[%broadcast_in_dim3A_337, %get3A_74] : memref<8x3136xf32, #tpu.memory_space<vmem>>[vector<16xi32>, vector<16xi32>], vector<16xf32>,
        tpu.vector_store_idx %arg10[%broadcast_in_dim3A_335, %add3A_274], %gather3A_338 : memref<56x66xf32, #tpu.memory_space<vmem>>[vector<16xi32>, vector<16xi32>], vector<16xf32>,
        %add3A_339 = arith.constant 34 : i32
        %add3A_340 = vector.broadcast %add3A_339 : i32 to vector<16xi32>
        %add3A_341 = arith.addi %add3A_340, %iota3A : vector<16xi32>
        %mul3A_342 = arith.constant 8 : i32
        %mul3A_343 = arith.muli %select_n3A_206, %mul3A_342 : i32
        %add3A_344 = arith.constant 0 : i32
        %add3A_345 = arith.addi %mul3A_343, %add3A_344 : i32
        %broadcast_in_dim3A_346 = vector.broadcast %add3A_345 : i32 to vector<16xi32>
        %broadcast_in_dim3A_347 = arith.constant 0 : i32
        %broadcast_in_dim3A_348 = vector.broadcast %broadcast_in_dim3A_347 : i32 to vector<16xi32>
        %gather3A_349 = tpu.vector_load_idx %arg7[%broadcast_in_dim3A_348, %get3A_80] : memref<8x3136xf32, #tpu.memory_space<vmem>>[vector<16xi32>, vector<16xi32>], vector<16xf32>,
        tpu.vector_store_idx %arg10[%broadcast_in_dim3A_346, %add3A_341], %gather3A_349 : memref<56x66xf32, #tpu.memory_space<vmem>>[vector<16xi32>, vector<16xi32>], vector<16xf32>,
        %mul3A_350 = arith.constant 8 : i32
        %mul3A_351 = arith.muli %select_n3A_206, %mul3A_350 : i32
        %add3A_352 = arith.constant 1 : i32
        %add3A_353 = arith.addi %mul3A_351, %add3A_352 : i32
        %broadcast_in_dim3A_354 = vector.broadcast %add3A_353 : i32 to vector<16xi32>
        %broadcast_in_dim3A_355 = arith.constant 1 : i32
        %broadcast_in_dim3A_356 = vector.broadcast %broadcast_in_dim3A_355 : i32 to vector<16xi32>
        %gather3A_357 = tpu.vector_load_idx %arg7[%broadcast_in_dim3A_356, %get3A_80] : memref<8x3136xf32, #tpu.memory_space<vmem>>[vector<16xi32>, vector<16xi32>], vector<16xf32>,
        tpu.vector_store_idx %arg10[%broadcast_in_dim3A_354, %add3A_341], %gather3A_357 : memref<56x66xf32, #tpu.memory_space<vmem>>[vector<16xi32>, vector<16xi32>], vector<16xf32>,
        %mul3A_358 = arith.constant 8 : i32
        %mul3A_359 = arith.muli %select_n3A_206, %mul3A_358 : i32
        %add3A_360 = arith.constant 2 : i32
        %add3A_361 = arith.addi %mul3A_359, %add3A_360 : i32
        %broadcast_in_dim3A_362 = vector.broadcast %add3A_361 : i32 to vector<16xi32>
        %broadcast_in_dim3A_363 = arith.constant 2 : i32
        %broadcast_in_dim3A_364 = vector.broadcast %broadcast_in_dim3A_363 : i32 to vector<16xi32>
        %gather3A_365 = tpu.vector_load_idx %arg7[%broadcast_in_dim3A_364, %get3A_80] : memref<8x3136xf32, #tpu.memory_space<vmem>>[vector<16xi32>, vector<16xi32>], vector<16xf32>,
        tpu.vector_store_idx %arg10[%broadcast_in_dim3A_362, %add3A_341], %gather3A_365 : memref<56x66xf32, #tpu.memory_space<vmem>>[vector<16xi32>, vector<16xi32>], vector<16xf32>,
        %mul3A_366 = arith.constant 8 : i32
        %mul3A_367 = arith.muli %select_n3A_206, %mul3A_366 : i32
        %add3A_368 = arith.constant 3 : i32
        %add3A_369 = arith.addi %mul3A_367, %add3A_368 : i32
        %broadcast_in_dim3A_370 = vector.broadcast %add3A_369 : i32 to vector<16xi32>
        %broadcast_in_dim3A_371 = arith.constant 3 : i32
        %broadcast_in_dim3A_372 = vector.broadcast %broadcast_in_dim3A_371 : i32 to vector<16xi32>
        %gather3A_373 = tpu.vector_load_idx %arg7[%broadcast_in_dim3A_372, %get3A_80] : memref<8x3136xf32, #tpu.memory_space<vmem>>[vector<16xi32>, vector<16xi32>], vector<16xf32>,
        tpu.vector_store_idx %arg10[%broadcast_in_dim3A_370, %add3A_341], %gather3A_373 : memref<56x66xf32, #tpu.memory_space<vmem>>[vector<16xi32>, vector<16xi32>], vector<16xf32>,
        %mul3A_374 = arith.constant 8 : i32
        %mul3A_375 = arith.muli %select_n3A_206, %mul3A_374 : i32
        %add3A_376 = arith.constant 4 : i32
        %add3A_377 = arith.addi %mul3A_375, %add3A_376 : i32
        %broadcast_in_dim3A_378 = vector.broadcast %add3A_377 : i32 to vector<16xi32>
        %broadcast_in_dim3A_379 = arith.constant 4 : i32
        %broadcast_in_dim3A_380 = vector.broadcast %broadcast_in_dim3A_379 : i32 to vector<16xi32>
        %gather3A_381 = tpu.vector_load_idx %arg7[%broadcast_in_dim3A_380, %get3A_80] : memref<8x3136xf32, #tpu.memory_space<vmem>>[vector<16xi32>, vector<16xi32>], vector<16xf32>,
        tpu.vector_store_idx %arg10[%broadcast_in_dim3A_378, %add3A_341], %gather3A_381 : memref<56x66xf32, #tpu.memory_space<vmem>>[vector<16xi32>, vector<16xi32>], vector<16xf32>,
        %mul3A_382 = arith.constant 8 : i32
        %mul3A_383 = arith.muli %select_n3A_206, %mul3A_382 : i32
        %add3A_384 = arith.constant 5 : i32
        %add3A_385 = arith.addi %mul3A_383, %add3A_384 : i32
        %broadcast_in_dim3A_386 = vector.broadcast %add3A_385 : i32 to vector<16xi32>
        %broadcast_in_dim3A_387 = arith.constant 5 : i32
        %broadcast_in_dim3A_388 = vector.broadcast %broadcast_in_dim3A_387 : i32 to vector<16xi32>
        %gather3A_389 = tpu.vector_load_idx %arg7[%broadcast_in_dim3A_388, %get3A_80] : memref<8x3136xf32, #tpu.memory_space<vmem>>[vector<16xi32>, vector<16xi32>], vector<16xf32>,
        tpu.vector_store_idx %arg10[%broadcast_in_dim3A_386, %add3A_341], %gather3A_389 : memref<56x66xf32, #tpu.memory_space<vmem>>[vector<16xi32>, vector<16xi32>], vector<16xf32>,
        %mul3A_390 = arith.constant 8 : i32
        %mul3A_391 = arith.muli %select_n3A_206, %mul3A_390 : i32
        %add3A_392 = arith.constant 6 : i32
        %add3A_393 = arith.addi %mul3A_391, %add3A_392 : i32
        %broadcast_in_dim3A_394 = vector.broadcast %add3A_393 : i32 to vector<16xi32>
        %broadcast_in_dim3A_395 = arith.constant 6 : i32
        %broadcast_in_dim3A_396 = vector.broadcast %broadcast_in_dim3A_395 : i32 to vector<16xi32>
        %gather3A_397 = tpu.vector_load_idx %arg7[%broadcast_in_dim3A_396, %get3A_80] : memref<8x3136xf32, #tpu.memory_space<vmem>>[vector<16xi32>, vector<16xi32>], vector<16xf32>,
        tpu.vector_store_idx %arg10[%broadcast_in_dim3A_394, %add3A_341], %gather3A_397 : memref<56x66xf32, #tpu.memory_space<vmem>>[vector<16xi32>, vector<16xi32>], vector<16xf32>,
        %mul3A_398 = arith.constant 8 : i32
        %mul3A_399 = arith.muli %select_n3A_206, %mul3A_398 : i32
        %add3A_400 = arith.constant 7 : i32
        %add3A_401 = arith.addi %mul3A_399, %add3A_400 : i32
        %broadcast_in_dim3A_402 = vector.broadcast %add3A_401 : i32 to vector<16xi32>
        %broadcast_in_dim3A_403 = arith.constant 7 : i32
        %broadcast_in_dim3A_404 = vector.broadcast %broadcast_in_dim3A_403 : i32 to vector<16xi32>
        %gather3A_405 = tpu.vector_load_idx %arg7[%broadcast_in_dim3A_404, %get3A_80] : memref<8x3136xf32, #tpu.memory_space<vmem>>[vector<16xi32>, vector<16xi32>], vector<16xf32>,
        tpu.vector_store_idx %arg10[%broadcast_in_dim3A_402, %add3A_341], %gather3A_405 : memref<56x66xf32, #tpu.memory_space<vmem>>[vector<16xi32>, vector<16xi32>], vector<16xf32>,
        %add3A_406 = arith.constant 50 : i32
        %add3A_407 = vector.broadcast %add3A_406 : i32 to vector<16xi32>
        %add3A_408 = arith.addi %add3A_407, %iota3A : vector<16xi32>
        %mul3A_409 = arith.constant 8 : i32
        %mul3A_410 = arith.muli %select_n3A_206, %mul3A_409 : i32
        %add3A_411 = arith.constant 0 : i32
        %add3A_412 = arith.addi %mul3A_410, %add3A_411 : i32
        %broadcast_in_dim3A_413 = vector.broadcast %add3A_412 : i32 to vector<16xi32>
        %broadcast_in_dim3A_414 = arith.constant 0 : i32
        %broadcast_in_dim3A_415 = vector.broadcast %broadcast_in_dim3A_414 : i32 to vector<16xi32>
        %gather3A_416 = tpu.vector_load_idx %arg7[%broadcast_in_dim3A_415, %get3A_86] : memref<8x3136xf32, #tpu.memory_space<vmem>>[vector<16xi32>, vector<16xi32>], vector<16xf32>,
        tpu.vector_store_idx %arg10[%broadcast_in_dim3A_413, %add3A_408], %gather3A_416 : memref<56x66xf32, #tpu.memory_space<vmem>>[vector<16xi32>, vector<16xi32>], vector<16xf32>,
        %mul3A_417 = arith.constant 8 : i32
        %mul3A_418 = arith.muli %select_n3A_206, %mul3A_417 : i32
        %add3A_419 = arith.constant 1 : i32
        %add3A_420 = arith.addi %mul3A_418, %add3A_419 : i32
        %broadcast_in_dim3A_421 = vector.broadcast %add3A_420 : i32 to vector<16xi32>
        %broadcast_in_dim3A_422 = arith.constant 1 : i32
        %broadcast_in_dim3A_423 = vector.broadcast %broadcast_in_dim3A_422 : i32 to vector<16xi32>
        %gather3A_424 = tpu.vector_load_idx %arg7[%broadcast_in_dim3A_423, %get3A_86] : memref<8x3136xf32, #tpu.memory_space<vmem>>[vector<16xi32>, vector<16xi32>], vector<16xf32>,
        tpu.vector_store_idx %arg10[%broadcast_in_dim3A_421, %add3A_408], %gather3A_424 : memref<56x66xf32, #tpu.memory_space<vmem>>[vector<16xi32>, vector<16xi32>], vector<16xf32>,
        %mul3A_425 = arith.constant 8 : i32
        %mul3A_426 = arith.muli %select_n3A_206, %mul3A_425 : i32
        %add3A_427 = arith.constant 2 : i32
        %add3A_428 = arith.addi %mul3A_426, %add3A_427 : i32
        %broadcast_in_dim3A_429 = vector.broadcast %add3A_428 : i32 to vector<16xi32>
        %broadcast_in_dim3A_430 = arith.constant 2 : i32
        %broadcast_in_dim3A_431 = vector.broadcast %broadcast_in_dim3A_430 : i32 to vector<16xi32>
        %gather3A_432 = tpu.vector_load_idx %arg7[%broadcast_in_dim3A_431, %get3A_86] : memref<8x3136xf32, #tpu.memory_space<vmem>>[vector<16xi32>, vector<16xi32>], vector<16xf32>,
        tpu.vector_store_idx %arg10[%broadcast_in_dim3A_429, %add3A_408], %gather3A_432 : memref<56x66xf32, #tpu.memory_space<vmem>>[vector<16xi32>, vector<16xi32>], vector<16xf32>,
        %mul3A_433 = arith.constant 8 : i32
        %mul3A_434 = arith.muli %select_n3A_206, %mul3A_433 : i32
        %add3A_435 = arith.constant 3 : i32
        %add3A_436 = arith.addi %mul3A_434, %add3A_435 : i32
        %broadcast_in_dim3A_437 = vector.broadcast %add3A_436 : i32 to vector<16xi32>
        %broadcast_in_dim3A_438 = arith.constant 3 : i32
        %broadcast_in_dim3A_439 = vector.broadcast %broadcast_in_dim3A_438 : i32 to vector<16xi32>
        %gather3A_440 = tpu.vector_load_idx %arg7[%broadcast_in_dim3A_439, %get3A_86] : memref<8x3136xf32, #tpu.memory_space<vmem>>[vector<16xi32>, vector<16xi32>], vector<16xf32>,
        tpu.vector_store_idx %arg10[%broadcast_in_dim3A_437, %add3A_408], %gather3A_440 : memref<56x66xf32, #tpu.memory_space<vmem>>[vector<16xi32>, vector<16xi32>], vector<16xf32>,
        %mul3A_441 = arith.constant 8 : i32
        %mul3A_442 = arith.muli %select_n3A_206, %mul3A_441 : i32
        %add3A_443 = arith.constant 4 : i32
        %add3A_444 = arith.addi %mul3A_442, %add3A_443 : i32
        %broadcast_in_dim3A_445 = vector.broadcast %add3A_444 : i32 to vector<16xi32>
        %broadcast_in_dim3A_446 = arith.constant 4 : i32
        %broadcast_in_dim3A_447 = vector.broadcast %broadcast_in_dim3A_446 : i32 to vector<16xi32>
        %gather3A_448 = tpu.vector_load_idx %arg7[%broadcast_in_dim3A_447, %get3A_86] : memref<8x3136xf32, #tpu.memory_space<vmem>>[vector<16xi32>, vector<16xi32>], vector<16xf32>,
        tpu.vector_store_idx %arg10[%broadcast_in_dim3A_445, %add3A_408], %gather3A_448 : memref<56x66xf32, #tpu.memory_space<vmem>>[vector<16xi32>, vector<16xi32>], vector<16xf32>,
        %mul3A_449 = arith.constant 8 : i32
        %mul3A_450 = arith.muli %select_n3A_206, %mul3A_449 : i32
        %add3A_451 = arith.constant 5 : i32
        %add3A_452 = arith.addi %mul3A_450, %add3A_451 : i32
        %broadcast_in_dim3A_453 = vector.broadcast %add3A_452 : i32 to vector<16xi32>
        %broadcast_in_dim3A_454 = arith.constant 5 : i32
        %broadcast_in_dim3A_455 = vector.broadcast %broadcast_in_dim3A_454 : i32 to vector<16xi32>
        %gather3A_456 = tpu.vector_load_idx %arg7[%broadcast_in_dim3A_455, %get3A_86] : memref<8x3136xf32, #tpu.memory_space<vmem>>[vector<16xi32>, vector<16xi32>], vector<16xf32>,
        tpu.vector_store_idx %arg10[%broadcast_in_dim3A_453, %add3A_408], %gather3A_456 : memref<56x66xf32, #tpu.memory_space<vmem>>[vector<16xi32>, vector<16xi32>], vector<16xf32>,
        %mul3A_457 = arith.constant 8 : i32
        %mul3A_458 = arith.muli %select_n3A_206, %mul3A_457 : i32
        %add3A_459 = arith.constant 6 : i32
        %add3A_460 = arith.addi %mul3A_458, %add3A_459 : i32
        %broadcast_in_dim3A_461 = vector.broadcast %add3A_460 : i32 to vector<16xi32>
        %broadcast_in_dim3A_462 = arith.constant 6 : i32
        %broadcast_in_dim3A_463 = vector.broadcast %broadcast_in_dim3A_462 : i32 to vector<16xi32>
        %gather3A_464 = tpu.vector_load_idx %arg7[%broadcast_in_dim3A_463, %get3A_86] : memref<8x3136xf32, #tpu.memory_space<vmem>>[vector<16xi32>, vector<16xi32>], vector<16xf32>,
        tpu.vector_store_idx %arg10[%broadcast_in_dim3A_461, %add3A_408], %gather3A_464 : memref<56x66xf32, #tpu.memory_space<vmem>>[vector<16xi32>, vector<16xi32>], vector<16xf32>,
        %mul3A_465 = arith.constant 8 : i32
        %mul3A_466 = arith.muli %select_n3A_206, %mul3A_465 : i32
        %add3A_467 = arith.constant 7 : i32
        %add3A_468 = arith.addi %mul3A_466, %add3A_467 : i32
        %broadcast_in_dim3A_469 = vector.broadcast %add3A_468 : i32 to vector<16xi32>
        %broadcast_in_dim3A_470 = arith.constant 7 : i32
        %broadcast_in_dim3A_471 = vector.broadcast %broadcast_in_dim3A_470 : i32 to vector<16xi32>
        %gather3A_472 = tpu.vector_load_idx %arg7[%broadcast_in_dim3A_471, %get3A_86] : memref<8x3136xf32, #tpu.memory_space<vmem>>[vector<16xi32>, vector<16xi32>], vector<16xf32>,
        tpu.vector_store_idx %arg10[%broadcast_in_dim3A_469, %add3A_408], %gather3A_472 : memref<56x66xf32, #tpu.memory_space<vmem>>[vector<16xi32>, vector<16xi32>], vector<16xf32>,
      } else {
      }
      %jit3A_143 = arith.constant 2 : i32
      %eq3A_144 = arith.constant 0 : i32
      %eq3A_145 = arith.cmpi eq, %jit3A_143, %eq3A_144 : i32
      %jit3A_146 = arith.constant 1 : i32
      %select_n3A_147 = arith.select %eq3A_145, %jit3A_146, %jit3A_143 : i32
      %rem3A_148 = arith.remsi %scan3A_97, %select_n3A_147 : i32
      %ne3A_149 = arith.constant 0 : i32
      %ne3A_150 = arith.cmpi ne, %rem3A_148, %ne3A_149 : i32
      %lt3A_151 = arith.constant 0 : i32
      %lt3A_152 = arith.cmpi slt, %rem3A_148, %lt3A_151 : i32
      %lt3A_153 = arith.constant 0 : i32
      %lt3A_154 = arith.cmpi slt, %select_n3A_147, %lt3A_153 : i32
      %ne3A_155 = arith.xori %lt3A_152, %lt3A_154 : i1
      %and3A_156 = arith.andi %ne3A_155, %ne3A_150 : i1
      %add3A_157 = arith.addi %rem3A_148, %select_n3A_147 : i32
      %select_n3A_158 = arith.select %and3A_156, %add3A_157, %rem3A_148 : i32
      %eq3A_159 = arith.constant 1 : i32
      %eq3A_160 = arith.cmpi eq, %select_n3A_158, %eq3A_159 : i32
      %convert_element_type3A_161 = arith.extui %eq3A_160 : i1 to i32
      %cond3A_162 = arith.constant 0 : i32
      %cond3A_163 = arith.cmpi ne, %convert_element_type3A_161, %cond3A_162 : i32
      scf.if %cond3A_163 {
        %mul3A_185 = arith.constant 8 : i32
        %mul3A_186 = arith.muli %scan3A_97, %mul3A_185 : i32
        %add3A_187 = arith.addi %add3A_37, %mul3A_186 : i32
        %dma_wait3A = arith.constant 0 : i32
        %dma_wait3A_188 = tpu.memref_slice %arg2[%add3A_187, %dma_wait3A] : memref<12544x3136xf32, #tpu.memory_space<hbm>> -> memref<8x3136xf32, #tpu.memory_space<hbm>>
        %dma_wait3A_189 = arith.constant 0 : i32
        %dma_wait3A_190 = tpu.memref_slice %arg2[%add3A_187, %dma_wait3A_189] : memref<12544x3136xf32, #tpu.memory_space<hbm>> -> memref<8x3136xf32, #tpu.memory_space<hbm>>
        tpu.wait_dma2 semaphore(%arg12 : memref<!tpu.dma_semaphore, #tpu.memory_space<semaphore_mem>>) src(%dma_wait3A_190 : memref<8x3136xf32, #tpu.memory_space<hbm>>) dst(%arg8 : memref<8x3136xf32, #tpu.memory_space<vmem>>)
        %jit3A_191 = arith.constant 7 : i32
        %eq3A_192 = arith.constant 0 : i32
        %eq3A_193 = arith.cmpi eq, %jit3A_191, %eq3A_192 : i32
        %jit3A_194 = arith.constant 1 : i32
        %select_n3A_195 = arith.select %eq3A_193, %jit3A_194, %jit3A_191 : i32
        %rem3A_196 = arith.remsi %scan3A_97, %select_n3A_195 : i32
        %ne3A_197 = arith.constant 0 : i32
        %ne3A_198 = arith.cmpi ne, %rem3A_196, %ne3A_197 : i32
        %lt3A_199 = arith.constant 0 : i32
        %lt3A_200 = arith.cmpi slt, %rem3A_196, %lt3A_199 : i32
        %lt3A_201 = arith.constant 0 : i32
        %lt3A_202 = arith.cmpi slt, %select_n3A_195, %lt3A_201 : i32
        %ne3A_203 = arith.xori %lt3A_200, %lt3A_202 : i1
        %and3A_204 = arith.andi %ne3A_203, %ne3A_198 : i1
        %add3A_205 = arith.addi %rem3A_196, %select_n3A_195 : i32
        %select_n3A_206 = arith.select %and3A_204, %add3A_205, %rem3A_196 : i32
        %add3A_207 = arith.constant 2 : i32
        %add3A_208 = vector.broadcast %add3A_207 : i32 to vector<16xi32>
        %add3A_209 = arith.addi %add3A_208, %iota3A : vector<16xi32>
        %mul3A_210 = arith.constant 8 : i32
        %mul3A_211 = arith.muli %select_n3A_206, %mul3A_210 : i32
        %add3A_212 = arith.constant 0 : i32
        %add3A_213 = arith.addi %mul3A_211, %add3A_212 : i32
        %broadcast_in_dim3A = vector.broadcast %add3A_213 : i32 to vector<16xi32>
        %broadcast_in_dim3A_214 = arith.constant 0 : i32
        %broadcast_in_dim3A_215 = vector.broadcast %broadcast_in_dim3A_214 : i32 to vector<16xi32>
        %gather3A = tpu.vector_load_idx %arg8[%broadcast_in_dim3A_215, %get3A_68] : memref<8x3136xf32, #tpu.memory_space<vmem>>[vector<16xi32>, vector<16xi32>], vector<16xf32>,
        tpu.vector_store_idx %arg10[%broadcast_in_dim3A, %add3A_209], %gather3A : memref<56x66xf32, #tpu.memory_space<vmem>>[vector<16xi32>, vector<16xi32>], vector<16xf32>,
        %mul3A_216 = arith.constant 8 : i32
        %mul3A_217 = arith.muli %select_n3A_206, %mul3A_216 : i32
        %add3A_218 = arith.constant 1 : i32
        %add3A_219 = arith.addi %mul3A_217, %add3A_218 : i32
        %broadcast_in_dim3A_220 = vector.broadcast %add3A_219 : i32 to vector<16xi32>
        %broadcast_in_dim3A_221 = arith.constant 1 : i32
        %broadcast_in_dim3A_222 = vector.broadcast %broadcast_in_dim3A_221 : i32 to vector<16xi32>
        %gather3A_223 = tpu.vector_load_idx %arg8[%broadcast_in_dim3A_222, %get3A_68] : memref<8x3136xf32, #tpu.memory_space<vmem>>[vector<16xi32>, vector<16xi32>], vector<16xf32>,
        tpu.vector_store_idx %arg10[%broadcast_in_dim3A_220, %add3A_209], %gather3A_223 : memref<56x66xf32, #tpu.memory_space<vmem>>[vector<16xi32>, vector<16xi32>], vector<16xf32>,
        %mul3A_224 = arith.constant 8 : i32
        %mul3A_225 = arith.muli %select_n3A_206, %mul3A_224 : i32
        %add3A_226 = arith.constant 2 : i32
        %add3A_227 = arith.addi %mul3A_225, %add3A_226 : i32
        %broadcast_in_dim3A_228 = vector.broadcast %add3A_227 : i32 to vector<16xi32>
        %broadcast_in_dim3A_229 = arith.constant 2 : i32
        %broadcast_in_dim3A_230 = vector.broadcast %broadcast_in_dim3A_229 : i32 to vector<16xi32>
        %gather3A_231 = tpu.vector_load_idx %arg8[%broadcast_in_dim3A_230, %get3A_68] : memref<8x3136xf32, #tpu.memory_space<vmem>>[vector<16xi32>, vector<16xi32>], vector<16xf32>,
        tpu.vector_store_idx %arg10[%broadcast_in_dim3A_228, %add3A_209], %gather3A_231 : memref<56x66xf32, #tpu.memory_space<vmem>>[vector<16xi32>, vector<16xi32>], vector<16xf32>,
        %mul3A_232 = arith.constant 8 : i32
        %mul3A_233 = arith.muli %select_n3A_206, %mul3A_232 : i32
        %add3A_234 = arith.constant 3 : i32
        %add3A_235 = arith.addi %mul3A_233, %add3A_234 : i32
        %broadcast_in_dim3A_236 = vector.broadcast %add3A_235 : i32 to vector<16xi32>
        %broadcast_in_dim3A_237 = arith.constant 3 : i32
        %broadcast_in_dim3A_238 = vector.broadcast %broadcast_in_dim3A_237 : i32 to vector<16xi32>
        %gather3A_239 = tpu.vector_load_idx %arg8[%broadcast_in_dim3A_238, %get3A_68] : memref<8x3136xf32, #tpu.memory_space<vmem>>[vector<16xi32>, vector<16xi32>], vector<16xf32>,
        tpu.vector_store_idx %arg10[%broadcast_in_dim3A_236, %add3A_209], %gather3A_239 : memref<56x66xf32, #tpu.memory_space<vmem>>[vector<16xi32>, vector<16xi32>], vector<16xf32>,
        %mul3A_240 = arith.constant 8 : i32
        %mul3A_241 = arith.muli %select_n3A_206, %mul3A_240 : i32
        %add3A_242 = arith.constant 4 : i32
        %add3A_243 = arith.addi %mul3A_241, %add3A_242 : i32
        %broadcast_in_dim3A_244 = vector.broadcast %add3A_243 : i32 to vector<16xi32>
        %broadcast_in_dim3A_245 = arith.constant 4 : i32
        %broadcast_in_dim3A_246 = vector.broadcast %broadcast_in_dim3A_245 : i32 to vector<16xi32>
        %gather3A_247 = tpu.vector_load_idx %arg8[%broadcast_in_dim3A_246, %get3A_68] : memref<8x3136xf32, #tpu.memory_space<vmem>>[vector<16xi32>, vector<16xi32>], vector<16xf32>,
        tpu.vector_store_idx %arg10[%broadcast_in_dim3A_244, %add3A_209], %gather3A_247 : memref<56x66xf32, #tpu.memory_space<vmem>>[vector<16xi32>, vector<16xi32>], vector<16xf32>,
        %mul3A_248 = arith.constant 8 : i32
        %mul3A_249 = arith.muli %select_n3A_206, %mul3A_248 : i32
        %add3A_250 = arith.constant 5 : i32
        %add3A_251 = arith.addi %mul3A_249, %add3A_250 : i32
        %broadcast_in_dim3A_252 = vector.broadcast %add3A_251 : i32 to vector<16xi32>
        %broadcast_in_dim3A_253 = arith.constant 5 : i32
        %broadcast_in_dim3A_254 = vector.broadcast %broadcast_in_dim3A_253 : i32 to vector<16xi32>
        %gather3A_255 = tpu.vector_load_idx %arg8[%broadcast_in_dim3A_254, %get3A_68] : memref<8x3136xf32, #tpu.memory_space<vmem>>[vector<16xi32>, vector<16xi32>], vector<16xf32>,
        tpu.vector_store_idx %arg10[%broadcast_in_dim3A_252, %add3A_209], %gather3A_255 : memref<56x66xf32, #tpu.memory_space<vmem>>[vector<16xi32>, vector<16xi32>], vector<16xf32>,
        %mul3A_256 = arith.constant 8 : i32
        %mul3A_257 = arith.muli %select_n3A_206, %mul3A_256 : i32
        %add3A_258 = arith.constant 6 : i32
        %add3A_259 = arith.addi %mul3A_257, %add3A_258 : i32
        %broadcast_in_dim3A_260 = vector.broadcast %add3A_259 : i32 to vector<16xi32>
        %broadcast_in_dim3A_261 = arith.constant 6 : i32
        %broadcast_in_dim3A_262 = vector.broadcast %broadcast_in_dim3A_261 : i32 to vector<16xi32>
        %gather3A_263 = tpu.vector_load_idx %arg8[%broadcast_in_dim3A_262, %get3A_68] : memref<8x3136xf32, #tpu.memory_space<vmem>>[vector<16xi32>, vector<16xi32>], vector<16xf32>,
        tpu.vector_store_idx %arg10[%broadcast_in_dim3A_260, %add3A_209], %gather3A_263 : memref<56x66xf32, #tpu.memory_space<vmem>>[vector<16xi32>, vector<16xi32>], vector<16xf32>,
        %mul3A_264 = arith.constant 8 : i32
        %mul3A_265 = arith.muli %select_n3A_206, %mul3A_264 : i32
        %add3A_266 = arith.constant 7 : i32
        %add3A_267 = arith.addi %mul3A_265, %add3A_266 : i32
        %broadcast_in_dim3A_268 = vector.broadcast %add3A_267 : i32 to vector<16xi32>
        %broadcast_in_dim3A_269 = arith.constant 7 : i32
        %broadcast_in_dim3A_270 = vector.broadcast %broadcast_in_dim3A_269 : i32 to vector<16xi32>
        %gather3A_271 = tpu.vector_load_idx %arg8[%broadcast_in_dim3A_270, %get3A_68] : memref<8x3136xf32, #tpu.memory_space<vmem>>[vector<16xi32>, vector<16xi32>], vector<16xf32>,
        tpu.vector_store_idx %arg10[%broadcast_in_dim3A_268, %add3A_209], %gather3A_271 : memref<56x66xf32, #tpu.memory_space<vmem>>[vector<16xi32>, vector<16xi32>], vector<16xf32>,
        %add3A_272 = arith.constant 18 : i32
        %add3A_273 = vector.broadcast %add3A_272 : i32 to vector<16xi32>
        %add3A_274 = arith.addi %add3A_273, %iota3A : vector<16xi32>
        %mul3A_275 = arith.constant 8 : i32
        %mul3A_276 = arith.muli %select_n3A_206, %mul3A_275 : i32
        %add3A_277 = arith.constant 0 : i32
        %add3A_278 = arith.addi %mul3A_276, %add3A_277 : i32
        %broadcast_in_dim3A_279 = vector.broadcast %add3A_278 : i32 to vector<16xi32>
        %broadcast_in_dim3A_280 = arith.constant 0 : i32
        %broadcast_in_dim3A_281 = vector.broadcast %broadcast_in_dim3A_280 : i32 to vector<16xi32>
        %gather3A_282 = tpu.vector_load_idx %arg8[%broadcast_in_dim3A_281, %get3A_74] : memref<8x3136xf32, #tpu.memory_space<vmem>>[vector<16xi32>, vector<16xi32>], vector<16xf32>,
        tpu.vector_store_idx %arg10[%broadcast_in_dim3A_279, %add3A_274], %gather3A_282 : memref<56x66xf32, #tpu.memory_space<vmem>>[vector<16xi32>, vector<16xi32>], vector<16xf32>,
        %mul3A_283 = arith.constant 8 : i32
        %mul3A_284 = arith.muli %select_n3A_206, %mul3A_283 : i32
        %add3A_285 = arith.constant 1 : i32
        %add3A_286 = arith.addi %mul3A_284, %add3A_285 : i32
        %broadcast_in_dim3A_287 = vector.broadcast %add3A_286 : i32 to vector<16xi32>
        %broadcast_in_dim3A_288 = arith.constant 1 : i32
        %broadcast_in_dim3A_289 = vector.broadcast %broadcast_in_dim3A_288 : i32 to vector<16xi32>
        %gather3A_290 = tpu.vector_load_idx %arg8[%broadcast_in_dim3A_289, %get3A_74] : memref<8x3136xf32, #tpu.memory_space<vmem>>[vector<16xi32>, vector<16xi32>], vector<16xf32>,
        tpu.vector_store_idx %arg10[%broadcast_in_dim3A_287, %add3A_274], %gather3A_290 : memref<56x66xf32, #tpu.memory_space<vmem>>[vector<16xi32>, vector<16xi32>], vector<16xf32>,
        %mul3A_291 = arith.constant 8 : i32
        %mul3A_292 = arith.muli %select_n3A_206, %mul3A_291 : i32
        %add3A_293 = arith.constant 2 : i32
        %add3A_294 = arith.addi %mul3A_292, %add3A_293 : i32
        %broadcast_in_dim3A_295 = vector.broadcast %add3A_294 : i32 to vector<16xi32>
        %broadcast_in_dim3A_296 = arith.constant 2 : i32
        %broadcast_in_dim3A_297 = vector.broadcast %broadcast_in_dim3A_296 : i32 to vector<16xi32>
        %gather3A_298 = tpu.vector_load_idx %arg8[%broadcast_in_dim3A_297, %get3A_74] : memref<8x3136xf32, #tpu.memory_space<vmem>>[vector<16xi32>, vector<16xi32>], vector<16xf32>,
        tpu.vector_store_idx %arg10[%broadcast_in_dim3A_295, %add3A_274], %gather3A_298 : memref<56x66xf32, #tpu.memory_space<vmem>>[vector<16xi32>, vector<16xi32>], vector<16xf32>,
        %mul3A_299 = arith.constant 8 : i32
        %mul3A_300 = arith.muli %select_n3A_206, %mul3A_299 : i32
        %add3A_301 = arith.constant 3 : i32
        %add3A_302 = arith.addi %mul3A_300, %add3A_301 : i32
        %broadcast_in_dim3A_303 = vector.broadcast %add3A_302 : i32 to vector<16xi32>
        %broadcast_in_dim3A_304 = arith.constant 3 : i32
        %broadcast_in_dim3A_305 = vector.broadcast %broadcast_in_dim3A_304 : i32 to vector<16xi32>
        %gather3A_306 = tpu.vector_load_idx %arg8[%broadcast_in_dim3A_305, %get3A_74] : memref<8x3136xf32, #tpu.memory_space<vmem>>[vector<16xi32>, vector<16xi32>], vector<16xf32>,
        tpu.vector_store_idx %arg10[%broadcast_in_dim3A_303, %add3A_274], %gather3A_306 : memref<56x66xf32, #tpu.memory_space<vmem>>[vector<16xi32>, vector<16xi32>], vector<16xf32>,
        %mul3A_307 = arith.constant 8 : i32
        %mul3A_308 = arith.muli %select_n3A_206, %mul3A_307 : i32
        %add3A_309 = arith.constant 4 : i32
        %add3A_310 = arith.addi %mul3A_308, %add3A_309 : i32
        %broadcast_in_dim3A_311 = vector.broadcast %add3A_310 : i32 to vector<16xi32>
        %broadcast_in_dim3A_312 = arith.constant 4 : i32
        %broadcast_in_dim3A_313 = vector.broadcast %broadcast_in_dim3A_312 : i32 to vector<16xi32>
        %gather3A_314 = tpu.vector_load_idx %arg8[%broadcast_in_dim3A_313, %get3A_74] : memref<8x3136xf32, #tpu.memory_space<vmem>>[vector<16xi32>, vector<16xi32>], vector<16xf32>,
        tpu.vector_store_idx %arg10[%broadcast_in_dim3A_311, %add3A_274], %gather3A_314 : memref<56x66xf32, #tpu.memory_space<vmem>>[vector<16xi32>, vector<16xi32>], vector<16xf32>,
        %mul3A_315 = arith.constant 8 : i32
        %mul3A_316 = arith.muli %select_n3A_206, %mul3A_315 : i32
        %add3A_317 = arith.constant 5 : i32
        %add3A_318 = arith.addi %mul3A_316, %add3A_317 : i32
        %broadcast_in_dim3A_319 = vector.broadcast %add3A_318 : i32 to vector<16xi32>
        %broadcast_in_dim3A_320 = arith.constant 5 : i32
        %broadcast_in_dim3A_321 = vector.broadcast %broadcast_in_dim3A_320 : i32 to vector<16xi32>
        %gather3A_322 = tpu.vector_load_idx %arg8[%broadcast_in_dim3A_321, %get3A_74] : memref<8x3136xf32, #tpu.memory_space<vmem>>[vector<16xi32>, vector<16xi32>], vector<16xf32>,
        tpu.vector_store_idx %arg10[%broadcast_in_dim3A_319, %add3A_274], %gather3A_322 : memref<56x66xf32, #tpu.memory_space<vmem>>[vector<16xi32>, vector<16xi32>], vector<16xf32>,
        %mul3A_323 = arith.constant 8 : i32
        %mul3A_324 = arith.muli %select_n3A_206, %mul3A_323 : i32
        %add3A_325 = arith.constant 6 : i32
        %add3A_326 = arith.addi %mul3A_324, %add3A_325 : i32
        %broadcast_in_dim3A_327 = vector.broadcast %add3A_326 : i32 to vector<16xi32>
        %broadcast_in_dim3A_328 = arith.constant 6 : i32
        %broadcast_in_dim3A_329 = vector.broadcast %broadcast_in_dim3A_328 : i32 to vector<16xi32>
        %gather3A_330 = tpu.vector_load_idx %arg8[%broadcast_in_dim3A_329, %get3A_74] : memref<8x3136xf32, #tpu.memory_space<vmem>>[vector<16xi32>, vector<16xi32>], vector<16xf32>,
        tpu.vector_store_idx %arg10[%broadcast_in_dim3A_327, %add3A_274], %gather3A_330 : memref<56x66xf32, #tpu.memory_space<vmem>>[vector<16xi32>, vector<16xi32>], vector<16xf32>,
        %mul3A_331 = arith.constant 8 : i32
        %mul3A_332 = arith.muli %select_n3A_206, %mul3A_331 : i32
        %add3A_333 = arith.constant 7 : i32
        %add3A_334 = arith.addi %mul3A_332, %add3A_333 : i32
        %broadcast_in_dim3A_335 = vector.broadcast %add3A_334 : i32 to vector<16xi32>
        %broadcast_in_dim3A_336 = arith.constant 7 : i32
        %broadcast_in_dim3A_337 = vector.broadcast %broadcast_in_dim3A_336 : i32 to vector<16xi32>
        %gather3A_338 = tpu.vector_load_idx %arg8[%broadcast_in_dim3A_337, %get3A_74] : memref<8x3136xf32, #tpu.memory_space<vmem>>[vector<16xi32>, vector<16xi32>], vector<16xf32>,
        tpu.vector_store_idx %arg10[%broadcast_in_dim3A_335, %add3A_274], %gather3A_338 : memref<56x66xf32, #tpu.memory_space<vmem>>[vector<16xi32>, vector<16xi32>], vector<16xf32>,
        %add3A_339 = arith.constant 34 : i32
        %add3A_340 = vector.broadcast %add3A_339 : i32 to vector<16xi32>
        %add3A_341 = arith.addi %add3A_340, %iota3A : vector<16xi32>
        %mul3A_342 = arith.constant 8 : i32
        %mul3A_343 = arith.muli %select_n3A_206, %mul3A_342 : i32
        %add3A_344 = arith.constant 0 : i32
        %add3A_345 = arith.addi %mul3A_343, %add3A_344 : i32
        %broadcast_in_dim3A_346 = vector.broadcast %add3A_345 : i32 to vector<16xi32>
        %broadcast_in_dim3A_347 = arith.constant 0 : i32
        %broadcast_in_dim3A_348 = vector.broadcast %broadcast_in_dim3A_347 : i32 to vector<16xi32>
        %gather3A_349 = tpu.vector_load_idx %arg8[%broadcast_in_dim3A_348, %get3A_80] : memref<8x3136xf32, #tpu.memory_space<vmem>>[vector<16xi32>, vector<16xi32>], vector<16xf32>,
        tpu.vector_store_idx %arg10[%broadcast_in_dim3A_346, %add3A_341], %gather3A_349 : memref<56x66xf32, #tpu.memory_space<vmem>>[vector<16xi32>, vector<16xi32>], vector<16xf32>,
        %mul3A_350 = arith.constant 8 : i32
        %mul3A_351 = arith.muli %select_n3A_206, %mul3A_350 : i32
        %add3A_352 = arith.constant 1 : i32
        %add3A_353 = arith.addi %mul3A_351, %add3A_352 : i32
        %broadcast_in_dim3A_354 = vector.broadcast %add3A_353 : i32 to vector<16xi32>
        %broadcast_in_dim3A_355 = arith.constant 1 : i32
        %broadcast_in_dim3A_356 = vector.broadcast %broadcast_in_dim3A_355 : i32 to vector<16xi32>
        %gather3A_357 = tpu.vector_load_idx %arg8[%broadcast_in_dim3A_356, %get3A_80] : memref<8x3136xf32, #tpu.memory_space<vmem>>[vector<16xi32>, vector<16xi32>], vector<16xf32>,
        tpu.vector_store_idx %arg10[%broadcast_in_dim3A_354, %add3A_341], %gather3A_357 : memref<56x66xf32, #tpu.memory_space<vmem>>[vector<16xi32>, vector<16xi32>], vector<16xf32>,
        %mul3A_358 = arith.constant 8 : i32
        %mul3A_359 = arith.muli %select_n3A_206, %mul3A_358 : i32
        %add3A_360 = arith.constant 2 : i32
        %add3A_361 = arith.addi %mul3A_359, %add3A_360 : i32
        %broadcast_in_dim3A_362 = vector.broadcast %add3A_361 : i32 to vector<16xi32>
        %broadcast_in_dim3A_363 = arith.constant 2 : i32
        %broadcast_in_dim3A_364 = vector.broadcast %broadcast_in_dim3A_363 : i32 to vector<16xi32>
        %gather3A_365 = tpu.vector_load_idx %arg8[%broadcast_in_dim3A_364, %get3A_80] : memref<8x3136xf32, #tpu.memory_space<vmem>>[vector<16xi32>, vector<16xi32>], vector<16xf32>,
        tpu.vector_store_idx %arg10[%broadcast_in_dim3A_362, %add3A_341], %gather3A_365 : memref<56x66xf32, #tpu.memory_space<vmem>>[vector<16xi32>, vector<16xi32>], vector<16xf32>,
        %mul3A_366 = arith.constant 8 : i32
        %mul3A_367 = arith.muli %select_n3A_206, %mul3A_366 : i32
        %add3A_368 = arith.constant 3 : i32
        %add3A_369 = arith.addi %mul3A_367, %add3A_368 : i32
        %broadcast_in_dim3A_370 = vector.broadcast %add3A_369 : i32 to vector<16xi32>
        %broadcast_in_dim3A_371 = arith.constant 3 : i32
        %broadcast_in_dim3A_372 = vector.broadcast %broadcast_in_dim3A_371 : i32 to vector<16xi32>
        %gather3A_373 = tpu.vector_load_idx %arg8[%broadcast_in_dim3A_372, %get3A_80] : memref<8x3136xf32, #tpu.memory_space<vmem>>[vector<16xi32>, vector<16xi32>], vector<16xf32>,
        tpu.vector_store_idx %arg10[%broadcast_in_dim3A_370, %add3A_341], %gather3A_373 : memref<56x66xf32, #tpu.memory_space<vmem>>[vector<16xi32>, vector<16xi32>], vector<16xf32>,
        %mul3A_374 = arith.constant 8 : i32
        %mul3A_375 = arith.muli %select_n3A_206, %mul3A_374 : i32
        %add3A_376 = arith.constant 4 : i32
        %add3A_377 = arith.addi %mul3A_375, %add3A_376 : i32
        %broadcast_in_dim3A_378 = vector.broadcast %add3A_377 : i32 to vector<16xi32>
        %broadcast_in_dim3A_379 = arith.constant 4 : i32
        %broadcast_in_dim3A_380 = vector.broadcast %broadcast_in_dim3A_379 : i32 to vector<16xi32>
        %gather3A_381 = tpu.vector_load_idx %arg8[%broadcast_in_dim3A_380, %get3A_80] : memref<8x3136xf32, #tpu.memory_space<vmem>>[vector<16xi32>, vector<16xi32>], vector<16xf32>,
        tpu.vector_store_idx %arg10[%broadcast_in_dim3A_378, %add3A_341], %gather3A_381 : memref<56x66xf32, #tpu.memory_space<vmem>>[vector<16xi32>, vector<16xi32>], vector<16xf32>,
        %mul3A_382 = arith.constant 8 : i32
        %mul3A_383 = arith.muli %select_n3A_206, %mul3A_382 : i32
        %add3A_384 = arith.constant 5 : i32
        %add3A_385 = arith.addi %mul3A_383, %add3A_384 : i32
        %broadcast_in_dim3A_386 = vector.broadcast %add3A_385 : i32 to vector<16xi32>
        %broadcast_in_dim3A_387 = arith.constant 5 : i32
        %broadcast_in_dim3A_388 = vector.broadcast %broadcast_in_dim3A_387 : i32 to vector<16xi32>
        %gather3A_389 = tpu.vector_load_idx %arg8[%broadcast_in_dim3A_388, %get3A_80] : memref<8x3136xf32, #tpu.memory_space<vmem>>[vector<16xi32>, vector<16xi32>], vector<16xf32>,
        tpu.vector_store_idx %arg10[%broadcast_in_dim3A_386, %add3A_341], %gather3A_389 : memref<56x66xf32, #tpu.memory_space<vmem>>[vector<16xi32>, vector<16xi32>], vector<16xf32>,
        %mul3A_390 = arith.constant 8 : i32
        %mul3A_391 = arith.muli %select_n3A_206, %mul3A_390 : i32
        %add3A_392 = arith.constant 6 : i32
        %add3A_393 = arith.addi %mul3A_391, %add3A_392 : i32
        %broadcast_in_dim3A_394 = vector.broadcast %add3A_393 : i32 to vector<16xi32>
        %broadcast_in_dim3A_395 = arith.constant 6 : i32
        %broadcast_in_dim3A_396 = vector.broadcast %broadcast_in_dim3A_395 : i32 to vector<16xi32>
        %gather3A_397 = tpu.vector_load_idx %arg8[%broadcast_in_dim3A_396, %get3A_80] : memref<8x3136xf32, #tpu.memory_space<vmem>>[vector<16xi32>, vector<16xi32>], vector<16xf32>,
        tpu.vector_store_idx %arg10[%broadcast_in_dim3A_394, %add3A_341], %gather3A_397 : memref<56x66xf32, #tpu.memory_space<vmem>>[vector<16xi32>, vector<16xi32>], vector<16xf32>,
        %mul3A_398 = arith.constant 8 : i32
        %mul3A_399 = arith.muli %select_n3A_206, %mul3A_398 : i32
        %add3A_400 = arith.constant 7 : i32
        %add3A_401 = arith.addi %mul3A_399, %add3A_400 : i32
        %broadcast_in_dim3A_402 = vector.broadcast %add3A_401 : i32 to vector<16xi32>
        %broadcast_in_dim3A_403 = arith.constant 7 : i32
        %broadcast_in_dim3A_404 = vector.broadcast %broadcast_in_dim3A_403 : i32 to vector<16xi32>
        %gather3A_405 = tpu.vector_load_idx %arg8[%broadcast_in_dim3A_404, %get3A_80] : memref<8x3136xf32, #tpu.memory_space<vmem>>[vector<16xi32>, vector<16xi32>], vector<16xf32>,
        tpu.vector_store_idx %arg10[%broadcast_in_dim3A_402, %add3A_341], %gather3A_405 : memref<56x66xf32, #tpu.memory_space<vmem>>[vector<16xi32>, vector<16xi32>], vector<16xf32>,
        %add3A_406 = arith.constant 50 : i32
        %add3A_407 = vector.broadcast %add3A_406 : i32 to vector<16xi32>
        %add3A_408 = arith.addi %add3A_407, %iota3A : vector<16xi32>
        %mul3A_409 = arith.constant 8 : i32
        %mul3A_410 = arith.muli %select_n3A_206, %mul3A_409 : i32
        %add3A_411 = arith.constant 0 : i32
        %add3A_412 = arith.addi %mul3A_410, %add3A_411 : i32
        %broadcast_in_dim3A_413 = vector.broadcast %add3A_412 : i32 to vector<16xi32>
        %broadcast_in_dim3A_414 = arith.constant 0 : i32
        %broadcast_in_dim3A_415 = vector.broadcast %broadcast_in_dim3A_414 : i32 to vector<16xi32>
        %gather3A_416 = tpu.vector_load_idx %arg8[%broadcast_in_dim3A_415, %get3A_86] : memref<8x3136xf32, #tpu.memory_space<vmem>>[vector<16xi32>, vector<16xi32>], vector<16xf32>,
        tpu.vector_store_idx %arg10[%broadcast_in_dim3A_413, %add3A_408], %gather3A_416 : memref<56x66xf32, #tpu.memory_space<vmem>>[vector<16xi32>, vector<16xi32>], vector<16xf32>,
        %mul3A_417 = arith.constant 8 : i32
        %mul3A_418 = arith.muli %select_n3A_206, %mul3A_417 : i32
        %add3A_419 = arith.constant 1 : i32
        %add3A_420 = arith.addi %mul3A_418, %add3A_419 : i32
        %broadcast_in_dim3A_421 = vector.broadcast %add3A_420 : i32 to vector<16xi32>
        %broadcast_in_dim3A_422 = arith.constant 1 : i32
        %broadcast_in_dim3A_423 = vector.broadcast %broadcast_in_dim3A_422 : i32 to vector<16xi32>
        %gather3A_424 = tpu.vector_load_idx %arg8[%broadcast_in_dim3A_423, %get3A_86] : memref<8x3136xf32, #tpu.memory_space<vmem>>[vector<16xi32>, vector<16xi32>], vector<16xf32>,
        tpu.vector_store_idx %arg10[%broadcast_in_dim3A_421, %add3A_408], %gather3A_424 : memref<56x66xf32, #tpu.memory_space<vmem>>[vector<16xi32>, vector<16xi32>], vector<16xf32>,
        %mul3A_425 = arith.constant 8 : i32
        %mul3A_426 = arith.muli %select_n3A_206, %mul3A_425 : i32
        %add3A_427 = arith.constant 2 : i32
        %add3A_428 = arith.addi %mul3A_426, %add3A_427 : i32
        %broadcast_in_dim3A_429 = vector.broadcast %add3A_428 : i32 to vector<16xi32>
        %broadcast_in_dim3A_430 = arith.constant 2 : i32
        %broadcast_in_dim3A_431 = vector.broadcast %broadcast_in_dim3A_430 : i32 to vector<16xi32>
        %gather3A_432 = tpu.vector_load_idx %arg8[%broadcast_in_dim3A_431, %get3A_86] : memref<8x3136xf32, #tpu.memory_space<vmem>>[vector<16xi32>, vector<16xi32>], vector<16xf32>,
        tpu.vector_store_idx %arg10[%broadcast_in_dim3A_429, %add3A_408], %gather3A_432 : memref<56x66xf32, #tpu.memory_space<vmem>>[vector<16xi32>, vector<16xi32>], vector<16xf32>,
        %mul3A_433 = arith.constant 8 : i32
        %mul3A_434 = arith.muli %select_n3A_206, %mul3A_433 : i32
        %add3A_435 = arith.constant 3 : i32
        %add3A_436 = arith.addi %mul3A_434, %add3A_435 : i32
        %broadcast_in_dim3A_437 = vector.broadcast %add3A_436 : i32 to vector<16xi32>
        %broadcast_in_dim3A_438 = arith.constant 3 : i32
        %broadcast_in_dim3A_439 = vector.broadcast %broadcast_in_dim3A_438 : i32 to vector<16xi32>
        %gather3A_440 = tpu.vector_load_idx %arg8[%broadcast_in_dim3A_439, %get3A_86] : memref<8x3136xf32, #tpu.memory_space<vmem>>[vector<16xi32>, vector<16xi32>], vector<16xf32>,
        tpu.vector_store_idx %arg10[%broadcast_in_dim3A_437, %add3A_408], %gather3A_440 : memref<56x66xf32, #tpu.memory_space<vmem>>[vector<16xi32>, vector<16xi32>], vector<16xf32>,
        %mul3A_441 = arith.constant 8 : i32
        %mul3A_442 = arith.muli %select_n3A_206, %mul3A_441 : i32
        %add3A_443 = arith.constant 4 : i32
        %add3A_444 = arith.addi %mul3A_442, %add3A_443 : i32
        %broadcast_in_dim3A_445 = vector.broadcast %add3A_444 : i32 to vector<16xi32>
        %broadcast_in_dim3A_446 = arith.constant 4 : i32
        %broadcast_in_dim3A_447 = vector.broadcast %broadcast_in_dim3A_446 : i32 to vector<16xi32>
        %gather3A_448 = tpu.vector_load_idx %arg8[%broadcast_in_dim3A_447, %get3A_86] : memref<8x3136xf32, #tpu.memory_space<vmem>>[vector<16xi32>, vector<16xi32>], vector<16xf32>,
        tpu.vector_store_idx %arg10[%broadcast_in_dim3A_445, %add3A_408], %gather3A_448 : memref<56x66xf32, #tpu.memory_space<vmem>>[vector<16xi32>, vector<16xi32>], vector<16xf32>,
        %mul3A_449 = arith.constant 8 : i32
        %mul3A_450 = arith.muli %select_n3A_206, %mul3A_449 : i32
        %add3A_451 = arith.constant 5 : i32
        %add3A_452 = arith.addi %mul3A_450, %add3A_451 : i32
        %broadcast_in_dim3A_453 = vector.broadcast %add3A_452 : i32 to vector<16xi32>
        %broadcast_in_dim3A_454 = arith.constant 5 : i32
        %broadcast_in_dim3A_455 = vector.broadcast %broadcast_in_dim3A_454 : i32 to vector<16xi32>
        %gather3A_456 = tpu.vector_load_idx %arg8[%broadcast_in_dim3A_455, %get3A_86] : memref<8x3136xf32, #tpu.memory_space<vmem>>[vector<16xi32>, vector<16xi32>], vector<16xf32>,
        tpu.vector_store_idx %arg10[%broadcast_in_dim3A_453, %add3A_408], %gather3A_456 : memref<56x66xf32, #tpu.memory_space<vmem>>[vector<16xi32>, vector<16xi32>], vector<16xf32>,
        %mul3A_457 = arith.constant 8 : i32
        %mul3A_458 = arith.muli %select_n3A_206, %mul3A_457 : i32
        %add3A_459 = arith.constant 6 : i32
        %add3A_460 = arith.addi %mul3A_458, %add3A_459 : i32
        %broadcast_in_dim3A_461 = vector.broadcast %add3A_460 : i32 to vector<16xi32>
        %broadcast_in_dim3A_462 = arith.constant 6 : i32
        %broadcast_in_dim3A_463 = vector.broadcast %broadcast_in_dim3A_462 : i32 to vector<16xi32>
        %gather3A_464 = tpu.vector_load_idx %arg8[%broadcast_in_dim3A_463, %get3A_86] : memref<8x3136xf32, #tpu.memory_space<vmem>>[vector<16xi32>, vector<16xi32>], vector<16xf32>,
        tpu.vector_store_idx %arg10[%broadcast_in_dim3A_461, %add3A_408], %gather3A_464 : memref<56x66xf32, #tpu.memory_space<vmem>>[vector<16xi32>, vector<16xi32>], vector<16xf32>,
        %mul3A_465 = arith.constant 8 : i32
        %mul3A_466 = arith.muli %select_n3A_206, %mul3A_465 : i32
        %add3A_467 = arith.constant 7 : i32
        %add3A_468 = arith.addi %mul3A_466, %add3A_467 : i32
        %broadcast_in_dim3A_469 = vector.broadcast %add3A_468 : i32 to vector<16xi32>
        %broadcast_in_dim3A_470 = arith.constant 7 : i32
        %broadcast_in_dim3A_471 = vector.broadcast %broadcast_in_dim3A_470 : i32 to vector<16xi32>
        %gather3A_472 = tpu.vector_load_idx %arg8[%broadcast_in_dim3A_471, %get3A_86] : memref<8x3136xf32, #tpu.memory_space<vmem>>[vector<16xi32>, vector<16xi32>], vector<16xf32>,
        tpu.vector_store_idx %arg10[%broadcast_in_dim3A_469, %add3A_408], %gather3A_472 : memref<56x66xf32, #tpu.memory_space<vmem>>[vector<16xi32>, vector<16xi32>], vector<16xf32>,
      } else {
      }
      %jit3A_164 = arith.constant 7 : i32
      %eq3A_165 = arith.constant 0 : i32
      %eq3A_166 = arith.cmpi eq, %jit3A_164, %eq3A_165 : i32
      %jit3A_167 = arith.constant 1 : i32
      %select_n3A_168 = arith.select %eq3A_166, %jit3A_167, %jit3A_164 : i32
      %rem3A_169 = arith.remsi %scan3A_97, %select_n3A_168 : i32
      %ne3A_170 = arith.constant 0 : i32
      %ne3A_171 = arith.cmpi ne, %rem3A_169, %ne3A_170 : i32
      %lt3A_172 = arith.constant 0 : i32
      %lt3A_173 = arith.cmpi slt, %rem3A_169, %lt3A_172 : i32
      %lt3A_174 = arith.constant 0 : i32
      %lt3A_175 = arith.cmpi slt, %select_n3A_168, %lt3A_174 : i32
      %ne3A_176 = arith.xori %lt3A_173, %lt3A_175 : i1
      %and3A_177 = arith.andi %ne3A_176, %ne3A_171 : i1
      %add3A_178 = arith.addi %rem3A_169, %select_n3A_168 : i32
      %select_n3A_179 = arith.select %and3A_177, %add3A_178, %rem3A_169 : i32
      %eq3A_180 = arith.constant 6 : i32
      %eq3A_181 = arith.cmpi eq, %select_n3A_179, %eq3A_180 : i32
      %convert_element_type3A_182 = arith.extui %eq3A_181 : i1 to i32
      %cond3A_183 = arith.constant 0 : i32
      %cond3A_184 = arith.cmpi ne, %convert_element_type3A_182, %cond3A_183 : i32
      scf.if %cond3A_184 {
        %jit3A_185 = arith.constant 7 : i32
        %div3A_186 = arith.divsi %scan3A_97, %jit3A_185 : i32
        %sign3A_187 = arith.constant 0 : i32
        %sign3A_188 = arith.cmpi sgt, %scan3A_97, %sign3A_187 : i32
        %sign3A_189 = arith.extui %sign3A_188 : i1 to i32
        %sign3A_190 = arith.constant 0 : i32
        %sign3A_191 = arith.cmpi slt, %scan3A_97, %sign3A_190 : i32
        %sign3A_192 = arith.extui %sign3A_191 : i1 to i32
        %sign3A_193 = arith.subi %sign3A_189, %sign3A_192 : i32
        %sign3A_194 = arith.constant 0 : i32
        %sign3A_195 = arith.cmpi sgt, %jit3A_185, %sign3A_194 : i32
        %sign3A_196 = arith.extui %sign3A_195 : i1 to i32
        %sign3A_197 = arith.constant 0 : i32
        %sign3A_198 = arith.cmpi slt, %jit3A_185, %sign3A_197 : i32
        %sign3A_199 = arith.extui %sign3A_198 : i1 to i32
        %sign3A_200 = arith.subi %sign3A_196, %sign3A_199 : i32
        %ne3A_201 = arith.cmpi ne, %sign3A_193, %sign3A_200 : i32
        %rem3A_202 = arith.remsi %scan3A_97, %jit3A_185 : i32
        %ne3A_203 = arith.constant 0 : i32
        %ne3A_204 = arith.cmpi ne, %rem3A_202, %ne3A_203 : i32
        %and3A_205 = arith.andi %ne3A_201, %ne3A_204 : i1
        %sub3A_206 = arith.constant 1 : i32
        %sub3A_207 = arith.subi %div3A_186, %sub3A_206 : i32
        %select_n3A_208 = arith.select %and3A_205, %sub3A_207, %div3A_186 : i32
        %mul3A_209 = arith.constant 56 : i32
        %mul3A_210 = arith.muli %select_n3A_208, %mul3A_209 : i32
        %add3A_211 = arith.addi %add3A_58, %mul3A_210 : i32
        "tpu.region"() ({
          %run_scoped3A = tpu.sem_alloc : memref<!tpu.dma_semaphore, #tpu.memory_space<semaphore_mem>>
          %dma_start3A_212 = arith.constant 0 : i32
          %dma_start3A_213 = tpu.memref_slice %arg5[%add3A_211, %dma_start3A_212] : memref<5376x66xf32, #tpu.memory_space<hbm>> -> memref<56x66xf32, #tpu.memory_space<hbm>>
          %dma_start3A_214 = arith.constant 0 : i32
          %dma_start3A_215 = tpu.memref_slice %arg5[%add3A_211, %dma_start3A_214] : memref<5376x66xf32, #tpu.memory_space<hbm>> -> memref<56x66xf32, #tpu.memory_space<hbm>>
          tpu.enqueue_dma source(%arg10 : memref<56x66xf32, #tpu.memory_space<vmem>>) target(%dma_start3A_215 : memref<56x66xf32, #tpu.memory_space<hbm>>) target_semaphore(%run_scoped3A : memref<!tpu.dma_semaphore, #tpu.memory_space<semaphore_mem>>)
          %dma_wait3A = arith.constant 0 : i32
          %dma_wait3A_216 = tpu.memref_slice %arg5[%add3A_211, %dma_wait3A] : memref<5376x66xf32, #tpu.memory_space<hbm>> -> memref<56x66xf32, #tpu.memory_space<hbm>>
          %dma_wait3A_217 = arith.constant 0 : i32
          %dma_wait3A_218 = tpu.memref_slice %arg5[%add3A_211, %dma_wait3A_217] : memref<5376x66xf32, #tpu.memory_space<hbm>> -> memref<56x66xf32, #tpu.memory_space<hbm>>
          tpu.wait_dma2 semaphore(%run_scoped3A : memref<!tpu.dma_semaphore, #tpu.memory_space<semaphore_mem>>) src(%arg10 : memref<56x66xf32, #tpu.memory_space<vmem>>) dst(%dma_wait3A_218 : memref<56x66xf32, #tpu.memory_space<hbm>>)
          tpu.yield
        }) : () -> ()
      } else {
      }
    }
    %scan3A_96 = arith.constant 21 : i32
    return
  }
}

module attributes {stable_mosaic.version = 14 : i64} {
  func.func @_topk_body(%arg0: i32, %arg1: memref<4x1x3136xf32, #tpu.memory_space<vmem>>, %arg2: memref<4x64xi32, #tpu.memory_space<vmem>>) attributes {dimension_semantics = [#tpu.dimension_semantics<arbitrary>], iteration_bounds = array<i64: 1>, scalar_prefetch = 0 : i64, scratch_operands = 0 : i64, tpu.core_type = #tpu.core_type<tc>, window_params = [{pipeline_mode = #tpu.pipeline_mode<synchronous>, transform_indices = @transform_0, window_bounds = array<i64: 4, 1, 3136>}, {pipeline_mode = #tpu.pipeline_mode<synchronous>, transform_indices = @transform_1, window_bounds = array<i64: 4, 64>}]} {
    %get3A = arith.constant 0 : index
    %get3A_0 = arith.constant 0 : index
    %get3A_1 = arith.constant 0 : index
    %get3A_2 = vector.load %arg1[%get3A, %get3A_0, %get3A_1] : memref<4x1x3136xf32, #tpu.memory_space<vmem>>, vector<4x1x3136xf32>
    %get3A_3 = vector.shape_cast %get3A_2 : vector<4x1x3136xf32> to vector<4x3136xf32>
    %iota3A = tpu.iota {dimensions = array<i32: 1>} : vector<4x3136xi32>
    %iota3A_4 = tpu.iota {dimensions = array<i32: 1>} : vector<4x64xi32>
    %broadcast_in_dim3A = arith.constant 0 : i32
    %broadcast_in_dim3A_5 = vector.broadcast %broadcast_in_dim3A : i32 to vector<4x64xi32>
    %scan3A = arith.constant 0 : i32
    %scan3A_6 = arith.constant 64 : i32
    %scan3A_7 = arith.addi %scan3A, %scan3A_6 : i32
    %scan3A_8 = arith.constant 1 : i32
    %scan3A_9:2 = scf.for %scan3A_13 = %scan3A to %scan3A_7 step %scan3A_8 iter_args(%scan3A_14 = %get3A_3, %scan3A_15 = %broadcast_in_dim3A_5) -> (vector<4x3136xf32>, vector<4x64xi32>)  : i32 {
      %reduce_max3A = arith.constant dense<0xFF800000> : vector<4xf32>
      %reduce_max3A_16 = vector.multi_reduction <maximumf>, %scan3A_14, %reduce_max3A [1] : vector<4x3136xf32> to vector<4xf32>
      %broadcast_in_dim3A_17 = vector.shape_cast %reduce_max3A_16 : vector<4xf32> to vector<4x1xf32>
      %ge3A = vector.broadcast %broadcast_in_dim3A_17 : vector<4x1xf32> to vector<4x3136xf32>
      %ge3A_18 = arith.cmpf oge, %scan3A_14, %ge3A : vector<4x3136xf32>
      %jit3A = arith.constant 3136 : i32
      %broadcast_in_dim3A_19 = vector.broadcast %jit3A : i32 to vector<4x3136xi32>
      %select_n3A = arith.select %ge3A_18, %iota3A, %broadcast_in_dim3A_19 : vector<4x3136xi1>, vector<4x3136xi32>
      %reduce_min3A = arith.constant dense<2147483647> : vector<4xi32>
      %reduce_min3A_20 = vector.multi_reduction <minsi>, %select_n3A, %reduce_min3A [1] : vector<4x3136xi32> to vector<4xi32>
      %broadcast_in_dim3A_21 = vector.shape_cast %reduce_min3A_20 : vector<4xi32> to vector<4x1xi32>
      %eq3A = vector.broadcast %scan3A_13 : i32 to vector<4x64xi32>
      %eq3A_22 = arith.cmpi eq, %iota3A_4, %eq3A : vector<4x64xi32>
      %broadcast_in_dim3A_23 = vector.shape_cast %broadcast_in_dim3A_21 : vector<4x1xi32> to vector<4x1xi32>
      %broadcast_in_dim3A_24 = vector.broadcast %broadcast_in_dim3A_23 : vector<4x1xi32> to vector<4x64xi32>
      %select_n3A_25 = arith.select %eq3A_22, %broadcast_in_dim3A_24, %scan3A_15 : vector<4x64xi1>, vector<4x64xi32>
      %eq3A_26 = vector.broadcast %broadcast_in_dim3A_21 : vector<4x1xi32> to vector<4x3136xi32>
      %eq3A_27 = arith.cmpi eq, %iota3A, %eq3A_26 : vector<4x3136xi32>
      %jit3A_28 = arith.constant 0xFF800000 : f32
      %broadcast_in_dim3A_29 = vector.broadcast %jit3A_28 : f32 to vector<4x3136xf32>
      %select_n3A_30 = arith.select %eq3A_27, %broadcast_in_dim3A_29, %scan3A_14 : vector<4x3136xi1>, vector<4x3136xf32>
      scf.yield %select_n3A_30, %select_n3A_25 : vector<4x3136xf32>, vector<4x64xi32>
    }
    %scan3A_10 = arith.constant 64 : i32
    %swap3A = arith.constant 0 : index
    %swap3A_11 = arith.constant 0 : index
    %swap3A_12 = vector.load %arg2[%swap3A, %swap3A_11] : memref<4x64xi32, #tpu.memory_space<vmem>>, vector<4x64xi32>
    tpu.vector_store %arg2[%swap3A, %swap3A_11], %scan3A_9#1 {strides = array<i32>} : memref<4x64xi32, #tpu.memory_space<vmem>>, vector<4x64xi32>,
    return
  }
  func.func @transform_0(%arg0: i32) -> (i32, i32, i32) {
    %c0_i32 = arith.constant 0 : i32
    %c0_i32_0 = arith.constant 0 : i32
    %c0_i32_1 = arith.constant 0 : i32
    %c0_i32_2 = arith.constant 0 : i32
    return %c0_i32, %c0_i32_0, %c0_i32_1 : i32, i32, i32
  }
  func.func @transform_1(%arg0: i32) -> (i32, i32) {
    %c0_i32 = arith.constant 0 : i32
    %c0_i32_0 = arith.constant 0 : i32
    %c0_i32_1 = arith.constant 0 : i32
    return %c0_i32, %c0_i32_0 : i32, i32
  }
}

module attributes {stable_mosaic.version = 14 : i64} {
  func.func @_reduce_body(%arg0: i32, %arg1: i32, %arg2: memref<1x14x56x3136xf32, #tpu.memory_space<vmem>>, %arg3: memref<1x14x56x2xf32, #tpu.memory_space<vmem>>, %arg4: memref<1x1x3136xf32, #tpu.memory_space<vmem>>) attributes {dimension_semantics = [#tpu.dimension_semantics<arbitrary>, #tpu.dimension_semantics<arbitrary>], iteration_bounds = array<i64: 4, 4>, scalar_prefetch = 0 : i64, scratch_operands = 0 : i64, tpu.core_type = #tpu.core_type<tc>, window_params = [{transform_indices = @transform_0, window_bounds = array<i64: 1, 14, 56, 3136>}, {transform_indices = @transform_1, window_bounds = array<i64: 1, 14, 56, 2>}, {transform_indices = @transform_2, window_bounds = array<i64: 1, 1, 3136>}]} {
    %get3A = arith.constant 0 : index
    %get3A_0 = arith.constant 0 : index
    %get3A_1 = arith.constant 0 : index
    %get3A_2 = arith.constant 0 : index
    %get3A_3 = vector.load %arg2[%get3A, %get3A_0, %get3A_1, %get3A_2] : memref<1x14x56x3136xf32, #tpu.memory_space<vmem>>, vector<1x14x56x3136xf32>
    %get3A_4 = vector.shape_cast %get3A_3 : vector<1x14x56x3136xf32> to vector<14x56x3136xf32>
    %reduce_max3A = arith.constant dense<0xFF800000> : vector<14x56xf32>
    %reduce_max3A_5 = vector.multi_reduction <maximumf>, %get3A_4, %reduce_max3A [2] : vector<14x56x3136xf32> to vector<14x56xf32>
    %reduce_sum3A = arith.constant dense<0.000000e+00> : vector<14x56xf32>
    %reduce_sum3A_6 = vector.multi_reduction <add>, %get3A_4, %reduce_sum3A [2] : vector<14x56x3136xf32> to vector<14x56xf32>
    %mul3A = arith.constant 3.18877544E-4 : f32
    %mul3A_7 = vector.broadcast %mul3A : f32 to vector<14x56xf32>
    %mul3A_8 = arith.mulf %reduce_sum3A_6, %mul3A_7 : vector<14x56xf32>
    %stack3A = vector.shape_cast %reduce_max3A_5 : vector<14x56xf32> to vector<14x56x1xf32>
    %stack3A_9 = vector.shape_cast %mul3A_8 : vector<14x56xf32> to vector<14x56x1xf32>
    %stack3A_10 = tpu.concatenate %stack3A, %stack3A_9 in 2 : vector<14x56x1xf32>, vector<14x56x1xf32> -> vector<14x56x2xf32>
    %swap3A = arith.constant 0 : index
    %swap3A_11 = arith.constant 0 : index
    %swap3A_12 = arith.constant 0 : index
    %swap3A_13 = arith.constant 0 : index
    %swap3A_14 = vector.load %arg3[%swap3A, %swap3A_11, %swap3A_12, %swap3A_13] : memref<1x14x56x2xf32, #tpu.memory_space<vmem>>, vector<1x14x56x2xf32>
    %swap3A_15 = vector.shape_cast %swap3A_14 : vector<1x14x56x2xf32> to vector<14x56x2xf32>
    %swap3A_16 = vector.shape_cast %stack3A_10 : vector<14x56x2xf32> to vector<1x14x56x2xf32>
    tpu.vector_store %arg3[%swap3A, %swap3A_11, %swap3A_12, %swap3A_13], %swap3A_16 {strides = array<i32>} : memref<1x14x56x2xf32, #tpu.memory_space<vmem>>, vector<1x14x56x2xf32>,
    %reduce_sum3A_17 = arith.constant dense<0.000000e+00> : vector<3136xf32>
    %reduce_sum3A_18 = vector.multi_reduction <add>, %get3A_4, %reduce_sum3A_17 [0, 1] : vector<14x56x3136xf32> to vector<3136xf32>
    %broadcast_in_dim3A = vector.shape_cast %reduce_sum3A_18 : vector<3136xf32> to vector<1x3136xf32>
    %eq3A = arith.constant 0 : i32
    %eq3A_19 = arith.cmpi eq, %arg1, %eq3A : i32
    %convert_element_type3A = arith.extui %eq3A_19 : i1 to i32
    %cond3A = arith.constant 0 : i32
    %cond3A_20 = arith.cmpi ne, %convert_element_type3A, %cond3A : i32
    scf.if %cond3A_20 {
      %swap3A_25 = arith.constant 0 : index
      %swap3A_26 = arith.constant 0 : index
      %swap3A_27 = arith.constant 0 : index
      %swap3A_28 = vector.load %arg4[%swap3A_25, %swap3A_26, %swap3A_27] : memref<1x1x3136xf32, #tpu.memory_space<vmem>>, vector<1x1x3136xf32>
      %swap3A_29 = vector.shape_cast %swap3A_28 : vector<1x1x3136xf32> to vector<1x3136xf32>
      %swap3A_30 = vector.shape_cast %broadcast_in_dim3A : vector<1x3136xf32> to vector<1x1x3136xf32>
      tpu.vector_store %arg4[%swap3A_25, %swap3A_26, %swap3A_27], %swap3A_30 {strides = array<i32>} : memref<1x1x3136xf32, #tpu.memory_space<vmem>>, vector<1x1x3136xf32>,
    } else {
    }
    %gt3A = arith.constant 0 : i32
    %gt3A_21 = arith.cmpi sgt, %arg1, %gt3A : i32
    %convert_element_type3A_22 = arith.extui %gt3A_21 : i1 to i32
    %cond3A_23 = arith.constant 0 : i32
    %cond3A_24 = arith.cmpi ne, %convert_element_type3A_22, %cond3A_23 : i32
    scf.if %cond3A_24 {
      %get3A_25 = arith.constant 0 : index
      %get3A_26 = arith.constant 0 : index
      %get3A_27 = arith.constant 0 : index
      %get3A_28 = vector.load %arg4[%get3A_25, %get3A_26, %get3A_27] : memref<1x1x3136xf32, #tpu.memory_space<vmem>>, vector<1x1x3136xf32>
      %get3A_29 = vector.shape_cast %get3A_28 : vector<1x1x3136xf32> to vector<1x3136xf32>
      %add3A = arith.addf %get3A_29, %broadcast_in_dim3A : vector<1x3136xf32>
      %swap3A_30 = arith.constant 0 : index
      %swap3A_31 = arith.constant 0 : index
      %swap3A_32 = arith.constant 0 : index
      %swap3A_33 = vector.load %arg4[%swap3A_30, %swap3A_31, %swap3A_32] : memref<1x1x3136xf32, #tpu.memory_space<vmem>>, vector<1x1x3136xf32>
      %swap3A_34 = vector.shape_cast %swap3A_33 : vector<1x1x3136xf32> to vector<1x3136xf32>
      %swap3A_35 = vector.shape_cast %add3A : vector<1x3136xf32> to vector<1x1x3136xf32>
      tpu.vector_store %arg4[%swap3A_30, %swap3A_31, %swap3A_32], %swap3A_35 {strides = array<i32>} : memref<1x1x3136xf32, #tpu.memory_space<vmem>>, vector<1x1x3136xf32>,
    } else {
    }
    return
  }
  func.func @transform_0(%arg0: i32, %arg1: i32) -> (i32, i32, i32, i32) {
    %c0_i32 = arith.constant 0 : i32
    %c0_i32_0 = arith.constant 0 : i32
    %c0_i32_1 = arith.constant 0 : i32
    return %arg0, %arg1, %c0_i32, %c0_i32_0 : i32, i32, i32, i32
  }
  func.func @transform_1(%arg0: i32, %arg1: i32) -> (i32, i32, i32, i32) {
    %c0_i32 = arith.constant 0 : i32
    %c0_i32_0 = arith.constant 0 : i32
    %c0_i32_1 = arith.constant 0 : i32
    return %arg0, %arg1, %c0_i32, %c0_i32_0 : i32, i32, i32, i32
  }
  func.func @transform_2(%arg0: i32, %arg1: i32) -> (i32, i32, i32) {
    %c0_i32 = arith.constant 0 : i32
    %c0_i32_0 = arith.constant 0 : i32
    %c0_i32_1 = arith.constant 0 : i32
    return %arg0, %c0_i32, %c0_i32_0 : i32, i32, i32
  }
}

module attributes {stable_mosaic.version = 14 : i64} {
  func.func @_tc_gather_body(%arg0: i32, %arg1: i32, %arg2: memref<1x8x56x3136xf32, #tpu.memory_space<vmem>>, %arg3: memref<1x1x64xi32, #tpu.memory_space<vmem>>, %arg4: memref<1x8x56x66xf32, #tpu.memory_space<vmem>>, %arg5: memref<3136x64xf32, #tpu.memory_space<vmem>>) attributes {dimension_semantics = [#tpu.dimension_semantics<arbitrary>, #tpu.dimension_semantics<arbitrary>], iteration_bounds = array<i64: 4, 4>, scalar_prefetch = 0 : i64, scratch_operands = 1 : i64, tpu.core_type = #tpu.core_type<tc>, window_params = [{transform_indices = @transform_0, window_bounds = array<i64: 1, 8, 56, 3136>}, {transform_indices = @transform_1, window_bounds = array<i64: 1, 1, 64>}, {transform_indices = @transform_2, window_bounds = array<i64: 1, 8, 56, 66>}]} {
    %eq3A = arith.constant 0 : i32
    %eq3A_0 = arith.cmpi eq, %arg1, %eq3A : i32
    %convert_element_type3A = arith.extui %eq3A_0 : i1 to i32
    %cond3A = arith.constant 0 : i32
    %cond3A_1 = arith.cmpi ne, %convert_element_type3A, %cond3A : i32
    scf.if %cond3A_1 {
      %iota3A = tpu.iota {dimensions = array<i32: 0>} : vector<3136x64xi32>
      %get3A_24 = arith.constant 0 : index
      %get3A_25 = arith.constant 0 : index
      %get3A_26 = arith.constant 0 : index
      %get3A_27 = vector.load %arg3[%get3A_24, %get3A_25, %get3A_26] : memref<1x1x64xi32, #tpu.memory_space<vmem>>, vector<1x1x64xi32>
      %get3A_28 = vector.shape_cast %get3A_27 : vector<1x1x64xi32> to vector<1x64xi32>
      %broadcast_in_dim3A = vector.shape_cast %get3A_28 : vector<1x64xi32> to vector<1x64xi32>
      %broadcast_in_dim3A_29 = vector.broadcast %broadcast_in_dim3A : vector<1x64xi32> to vector<3136x64xi32>
      %eq3A_30 = arith.cmpi eq, %iota3A, %broadcast_in_dim3A_29 : vector<3136x64xi32>
      %jit3A = arith.constant 1.000000e+00 : f32
      %jit3A_31 = arith.constant 0.000000e+00 : f32
      %broadcast_in_dim3A_32 = vector.broadcast %jit3A : f32 to vector<3136x64xf32>
      %broadcast_in_dim3A_33 = vector.broadcast %jit3A_31 : f32 to vector<3136x64xf32>
      %select_n3A = arith.select %eq3A_30, %broadcast_in_dim3A_32, %broadcast_in_dim3A_33 : vector<3136x64xi1>, vector<3136x64xf32>
      %swap3A_34 = arith.constant 0 : index
      %swap3A_35 = arith.constant 0 : index
      %swap3A_36 = vector.load %arg5[%swap3A_34, %swap3A_35] : memref<3136x64xf32, #tpu.memory_space<vmem>>, vector<3136x64xf32>
      tpu.vector_store %arg5[%swap3A_34, %swap3A_35], %select_n3A {strides = array<i32>} : memref<3136x64xf32, #tpu.memory_space<vmem>>, vector<3136x64xf32>,
    } else {
    }
    %get3A = arith.constant 0 : index
    %get3A_2 = arith.constant 0 : index
    %get3A_3 = arith.constant 0 : index
    %get3A_4 = arith.constant 0 : index
    %get3A_5 = vector.load %arg2[%get3A, %get3A_2, %get3A_3, %get3A_4] : memref<1x8x56x3136xf32, #tpu.memory_space<vmem>>, vector<1x8x56x3136xf32>
    %get3A_6 = vector.shape_cast %get3A_5 : vector<1x8x56x3136xf32> to vector<8x56x3136xf32>
    %reduce_max3A = arith.constant dense<0xFF800000> : vector<8x56xf32>
    %reduce_max3A_7 = vector.multi_reduction <maximumf>, %get3A_6, %reduce_max3A [2] : vector<8x56x3136xf32> to vector<8x56xf32>
    %reduce_sum3A = arith.constant dense<0.000000e+00> : vector<8x56xf32>
    %reduce_sum3A_8 = vector.multi_reduction <add>, %get3A_6, %reduce_sum3A [2] : vector<8x56x3136xf32> to vector<8x56xf32>
    %mul3A = arith.constant 3.18877544E-4 : f32
    %mul3A_9 = vector.broadcast %mul3A : f32 to vector<8x56xf32>
    %mul3A_10 = arith.mulf %reduce_sum3A_8, %mul3A_9 : vector<8x56xf32>
    %reshape3A = vector.shape_cast %get3A_6 : vector<8x56x3136xf32> to vector<448x3136xf32>
    %get3A_11 = arith.constant 0 : index
    %get3A_12 = arith.constant 0 : index
    %get3A_13 = vector.load %arg5[%get3A_11, %get3A_12] : memref<3136x64xf32, #tpu.memory_space<vmem>>, vector<3136x64xf32>
    %dot_general3A = arith.constant dense<0.000000e+00> : vector<448x64xf32>
    %dot_general3A_14 = tpu.matmul %reshape3A, %get3A_13, %dot_general3A {dimension_numbers = #tpu.dot_dimension_numbers<[1], [0], [0], [1], [0, 0, 1, 1], [], []>, transpose_lhs_hint = false} : vector<448x3136xf32>, vector<3136x64xf32>, vector<448x64xf32> -> vector<448x64xf32>
    %stack3A = vector.shape_cast %reduce_max3A_7 : vector<8x56xf32> to vector<8x56x1xf32>
    %stack3A_15 = vector.shape_cast %mul3A_10 : vector<8x56xf32> to vector<8x56x1xf32>
    %stack3A_16 = tpu.concatenate %stack3A, %stack3A_15 in 2 : vector<8x56x1xf32>, vector<8x56x1xf32> -> vector<8x56x2xf32>
    %reshape3A_17 = vector.shape_cast %dot_general3A_14 : vector<448x64xf32> to vector<8x56x64xf32>
    %concatenate3A = tpu.concatenate %stack3A_16, %reshape3A_17 in 2 : vector<8x56x2xf32>, vector<8x56x64xf32> -> vector<8x56x66xf32>
    %swap3A = arith.constant 0 : index
    %swap3A_18 = arith.constant 0 : index
    %swap3A_19 = arith.constant 0 : index
    %swap3A_20 = arith.constant 0 : index
    %swap3A_21 = vector.load %arg4[%swap3A, %swap3A_18, %swap3A_19, %swap3A_20] : memref<1x8x56x66xf32, #tpu.memory_space<vmem>>, vector<1x8x56x66xf32>
    %swap3A_22 = vector.shape_cast %swap3A_21 : vector<1x8x56x66xf32> to vector<8x56x66xf32>
    %swap3A_23 = vector.shape_cast %concatenate3A : vector<8x56x66xf32> to vector<1x8x56x66xf32>
    tpu.vector_store %arg4[%swap3A, %swap3A_18, %swap3A_19, %swap3A_20], %swap3A_23 {strides = array<i32>} : memref<1x8x56x66xf32, #tpu.memory_space<vmem>>, vector<1x8x56x66xf32>,
    return
  }
  func.func @transform_0(%arg0: i32, %arg1: i32) -> (i32, i32, i32, i32) {
    %c0_i32 = arith.constant 0 : i32
    %c0_i32_0 = arith.constant 0 : i32
    %c0_i32_1 = arith.constant 0 : i32
    return %arg0, %arg1, %c0_i32, %c0_i32_0 : i32, i32, i32, i32
  }
  func.func @transform_1(%arg0: i32, %arg1: i32) -> (i32, i32, i32) {
    %c0_i32 = arith.constant 0 : i32
    %c0_i32_0 = arith.constant 0 : i32
    %c0_i32_1 = arith.constant 0 : i32
    return %arg0, %c0_i32, %c0_i32_0 : i32, i32, i32
  }
  func.func @transform_2(%arg0: i32, %arg1: i32) -> (i32, i32, i32, i32) {
    %c0_i32 = arith.constant 0 : i32
    %c0_i32_0 = arith.constant 0 : i32
    %c0_i32_1 = arith.constant 0 : i32
    return %arg0, %arg1, %c0_i32, %c0_i32_0 : i32, i32, i32, i32
  }
}

</mosaic_0001>

<sc_bundles>
// kernel: kernel.6.cloned.1.call-start
scs
__scs_entry_jumppad:
0x0: {  	(pc) =	sbr.rel $0x88, $3  }
0x1: {  	(tag) =	ssettag $0x0;
	lr =	simm.s32 $0x1  }
0x2: {  	[smem:$0x3F9F] =	sst lr;
	_ =	strace $0xD0000000  }
0x3: {  	_ = 	snop  }
0x4: {  	_ = 	snop  }
0x5: {  	_ = 	snop  }
0x6: {  	_ = 	snop  }
0x7: {  	_ = 	snop  }
__scs_overlays_trampoline_lowered:
0x8: {  	[smem:$0x3FAE] =	sst s0  }
0x9: {  	[smem:$0x3FAF] =	sst s1  }
0xa: {  	[smem:$0x3FB0] =	sst s2  }
0xb: {  	[smem:$0x3FB1] =	sst s3  }
0xc: {  	[smem:$0x3FB2] =	sst s4  }
0xd: {  	[smem:$0x3FB3] =	sst s5  }
0xe: {  	[smem:$0x3FB4] =	sst s6  }
0xf: {  	[smem:$0x3FB5] =	sst s7  }
0x10: {  	[smem:$0x3FB6] =	sst s8  }
0x11: {  	[smem:$0x3FB7] =	sst s9;
	s0 =	simm.s32 @!p0 $0x0  }
0x12: {  	s1 =	sld [smem:$0x3F9D];
	s0 =	simm.s32 @p0 $0x1  }
0x13: {  	[smem:$0x3FB8] =	sst s0;
	s0 =	simm.s32 @!p1 $0x0  }
0x14: {  	s2 =	sld [smem:$0x3F9C];
	s0 =	simm.s32 @p1 $0x1  }
0x15: {  	[smem:$0x3FB9] =	sst s0;
	s0 =	simm.s32 @!p2 $0x0  }
0x16: {  	s3 =	sld [smem:$0x3FDB];
	s0 =	simm.s32 @p2 $0x1  }
0x17: {  	s4 =	simm.s32 $0x1BF5;
	[smem:$0x3FBB] =	sst s0  }
0x18: {  	s0 =	sld [smem:$0x3F9E];
	_ =	swait.ge [sflag:s4], $0x0  }
0x19: {  	s7 =	sld [smem:$0x3F9F]  }
0x1a: {  	s8 =	sadd.s32 $0xFFFFE003, lr  }
0x1b: {  	s9 =	sadd.s32 $0xFFFFFEF7, lr;
	s5 =	simm.s32 $0xFFFFFFFF;
	p2 =	slt.u32 s8, $0xFFFFF086  }
0x1c: {  	p1 =	slt.u32 s9, $0xF7A;
	s5 =	simm.s32 @!p2 $0x0  }
0x1d: {  	s5 =	simm.s32 @p1 $0x1;
	p0 =	seq.s32 s7, s2  }
0x1e: {  	s7 =	smul.u32 @!p0 $0xF7A, s2;
	p2 =	seq.s32 @!p0 s5, $0x0  }
0x1f: {  	s9 =	smul.u32 $0xF7A, s1;
	s8 =	simm.s32 @!p0 $0x1BF5;
	p2 =	por !p2, p0  }
0x20: {  	[sflag:s8] =	ssyncset.s32 @!p0 $0xFFFFF086;
	s6 =	sadd.s32 @!p0 s3, s7;
	s7 =	simm.s32 @!p0 $0x108  }
0x21: {  	s3 =	sadd.s32 s3, s9;
	s6 =	sadd.s32 @!p0 $0x88, s6;
	s7 =	simm.s32 @p2 $0x1082  }
0x22: {  	[simem:s7], [sflag:s8] =	dma.local @!p0 [hbm:s6], $0xF7A  }
0x23: {  	s9 =	sor.u32 $0xD0000000, s2;
	s6 =	simm.s32 $0x108;
	_ =	swait.ge @!p0 [sflag:s8], $0x0  }
0x24: {  	s3 =	sadd.s32 $0x88, s3;
	s6 =	simm.s32 @!p1 $0x1082;
	[sflag:s4] =	ssyncset.s32 $0xFFFFF086  }
0x25: {  	[simem:s6], [sflag:s4] =	dma.local [hbm:s3], $0xF7A  }
0x26: {  	[smem:$0x3F9F] =	sst s1;
	(tag) =	ssettag s2;
	_ =	strace s9  }
0x27: {  	s1 =	sld [smem:$0x3FAF]  }
0x28: {  	s2 =	sld [smem:$0x3FB0]  }
0x29: {  	s4 =	sld [smem:$0x3FB2]  }
0x2a: {  	p0 =	seq.s32 s5, $0x0;
	s5 =	sld [smem:$0x3FB3]  }
0x2b: {  	s6 =	sld [smem:$0x3FB4]  }
0x2c: {  	s7 =	sld [smem:$0x3FB5]  }
0x2d: {  	s3 =	simm.s32 $0x108;
	s8 =	sld [smem:$0x3FB6]  }
0x2e: {  	s3 =	simm.s32 @!p0 $0x1082;
	s9 =	sld [smem:$0x3FB7]  }
0x2f: {  	lr =	sadd.s32 s0, s3;
	s0 =	sld [smem:$0x3FAE]  }
0x30: {  	s3 =	sld [smem:$0x3FB1]  }
0x31: {  	[smem:$0x3FBA] =	sst s10  }
0x32: {  	s10 =	sld [smem:$0x3FB8];
	_ =	sdelay $0x3  }
0x33: {  	p0 =	seq.s32 s10, $0x1;
	s10 =	sld [smem:$0x3FBA];
	_ =	sdelay $0x3  }
0x34: {  	[smem:$0x3FBA] =	sst s10  }
0x35: {  	s10 =	sld [smem:$0x3FB9];
	_ =	sdelay $0x3  }
0x36: {  	p1 =	seq.s32 s10, $0x1;
	s10 =	sld [smem:$0x3FBA];
	_ =	sdelay $0x3  }
0x37: {  	[smem:$0x3FBA] =	sst s10  }
0x38: {  	s10 =	sld [smem:$0x3FBB]  }
0x39: {  	_ = 	snop;
	(pc) =	sbr.ind lr, $3  }
0x3a: {  	_ = 	snop  }
0x3b: {  	_ = 	snop  }
0x3c: {  	p2 =	seq.s32 s10, $0x1;
	s10 =	sld [smem:$0x3FBA]  }
0x3d: {  	_ =	shalt  }
0x3e: {  	_ =	shalt  }
0x3f: {  	_ =	shalt  }
0x40: {  	_ =	shalt  }
0x41: {  	_ =	shalt  }
0x42: {  	_ =	shalt  }
0x43: {  	_ =	shalt  }
0x44: {  	_ =	shalt  }
0x45: {  	_ =	shalt  }
0x46: {  	_ =	shalt  }
0x47: {  	_ =	shalt  }
0x48: {  	_ =	shalt  }
0x49: {  	_ =	shalt  }
0x4a: {  	_ =	shalt  }
0x4b: {  	_ =	shalt  }
0x4c: {  	_ =	shalt  }
0x4d: {  	_ =	shalt  }
0x4e: {  	_ =	shalt  }
0x4f: {  	_ =	shalt  }
0x50: {  	_ =	shalt  }
0x51: {  	_ =	shalt  }
0x52: {  	_ =	shalt  }
0x53: {  	_ =	shalt  }
0x54: {  	_ =	shalt  }
0x55: {  	_ =	shalt  }
0x56: {  	_ =	shalt  }
0x57: {  	_ =	shalt  }
0x58: {  	_ =	shalt  }
0x59: {  	_ =	shalt  }
0x5a: {  	_ =	shalt  }
0x5b: {  	_ =	shalt  }
0x5c: {  	_ =	shalt  }
0x5d: {  	_ =	shalt  }
0x5e: {  	_ =	shalt  }
0x5f: {  	_ =	shalt  }
0x60: {  	_ =	shalt  }
0x61: {  	_ =	shalt  }
0x62: {  	_ =	shalt  }
0x63: {  	_ =	shalt  }
0x64: {  	_ =	shalt  }
0x65: {  	_ =	shalt  }
0x66: {  	_ =	shalt  }
0x67: {  	_ =	shalt  }
0x68: {  	_ =	shalt  }
0x69: {  	_ =	shalt  }
0x6a: {  	_ =	shalt  }
0x6b: {  	_ =	shalt  }
0x6c: {  	_ =	shalt  }
0x6d: {  	_ =	shalt  }
0x6e: {  	_ =	shalt  }
0x6f: {  	_ =	shalt  }
0x70: {  	_ =	shalt  }
0x71: {  	_ =	shalt  }
0x72: {  	_ =	shalt  }
0x73: {  	_ =	shalt  }
0x74: {  	_ =	shalt  }
0x75: {  	_ =	shalt  }
0x76: {  	_ =	shalt  }
0x77: {  	_ =	shalt  }
0x78: {  	_ =	shalt  }
0x79: {  	_ =	shalt  }
0x7a: {  	_ =	shalt  }
0x7b: {  	_ =	shalt  }
0x7c: {  	_ =	shalt  }
0x7d: {  	_ =	shalt  }
0x7e: {  	_ =	shalt  }
0x7f: {  	_ =	shalt  }
0x80: {  	_ =	shalt  }
0x81: {  	_ =	shalt  }
0x82: {  	_ =	shalt  }
0x83: {  	_ =	shalt  }
0x84: {  	_ =	shalt  }
0x85: {  	_ =	shalt  }
0x86: {  	_ =	shalt  }
0x87: {  	_ =	shalt  }
.Lfunc_end0:
.L_simem_size_0:
called_computation_lowered:
.L_overlay_start_0:
0x88: {  	s2 =	sld [smem:$0x3FD9]  }
0x89: {  	s3 =	sld [smem:$0x3FFE];
	_ =	sdelay $0x1  }
0x8a: {  	s1 =	srdreg.scid  }
0x8b: {  	s0 =	sand.u32 $0x1, s1  }
0x8c: {  	s17 =	sshll.u32 s0, $0xA;
	s2 =	sadd.s32 s3, s2  }
0x8d: {  	s2 =	sadd.s32 s2, s17  }
0x8e: {  	[smem:$0x3FC6] =	sst s2  }
0x8f: {  	_ = 	snop  }
0x90: {  	s2 =	sld [smem:$0x3FC9]  }
0x91: {  	s18 =	sld [smem:$0x3FD0];
	(tm) =	ssettm $0x1  }
0x92: {  	s4 =	sld [smem:$0x3FFB];
	_ =	sdelay $0x3  }
0x93: {  	_ =	strace s4  }
0x94: {  	s4 =	sld [smem:$0x3FFC];
	_ =	sdelay $0x3  }
0x95: {  	_ =	strace s4  }
0x96: {  	s4 =	sld [smem:$0x3FFD];
	_ =	sdelay $0x3  }
0x97: {  	_ =	strace s4  }
0x98: {  	_ =	strace $0x8FFFFFFF  }
0x99: {  	s19 =	sld [smem:$0x3FDB];
	_ =	sdelay $0x1  }
0x9a: {  	s5 =	simm.s32 $_scs_section_size  }
0x9b: {  	s6 =	simm.s32 $_size__tile_overlayer_lowered;
	s7 =	simm.s32 $_tile_overlayer_lowered  }
0x9c: {  	s22 =	simm.s32 $0x1BFF;
	s21 =	sshll.u32 s7, $0x1;
	s4 =	sadd.s32 s5, s19  }
0x9d: {  	s8 =	simm.s32 $0x0;
	s20 =	sshll.u32 s6, $0x1;
	s6 =	sadd.s32 s21, s4  }
0x9e: {  	[timem:s8], [sflag:s22] =	dma.local [hbm:s6], s20  }
0x9f: {  	_ =	swait.ge [sflag:s22], s20  }
0xa0: {  	s5 =	ssub.s32 $0x0, s20;
	[sflag:s22] =	ssyncset.done $0x0  }
0xa1: {  	[sflag:s22] =	ssyncadd.s32 s5;
	_ =	sdelay $0x1  }
0xa2: {  	s23 =	simm.s32 $0x1B8B  }
0xa3: {  	_ =	swait.ge [sflag:s23], $0x1  }
0xa4: {  	[sflag:s23] =	ssyncset.done $0x0  }
0xa5: {  	s25 =	simm.s32 $0x1B8E;
	s24 =	sld [smem:$0x3FFE];
	[sflag:s23] =	ssyncadd.s32 $0xFFFFFFFF  }
0xa6: {  	s26 =	simm.s32 $execute0_lowered;
	[smem:$0x3FD2] =	sst s25  }
0xa7: {  	s6 =	sshll.u32 s26, $0x1;
	_ =	strace $0x80000046;
	[dreg:$0x1] =	wrdreg $0xFFFFFFFF  }
0xa8: {  	s28 =	simm.s32 $_size_execute0_lowered;
	s4 =	sadd.s32 s4, s6;
	[dreg:$0x0] =	wrdreg $0x0  }
0xa9: {  	s6 =	sshll.u32 s28, $0x1;
	[dreg:$0x2] =	wrdreg s4  }
0xaa: {  	[dreg:$0x3] =	wrdreg s6  }
0xab: {  	[dreg:$0x4] =	wrdreg $0xC0  }
0xac: {  	_ =	task [dreg:s8], $0x5FFFF  }
0xad: {  	[dreg:$0x1] =	wrdreg $0xFFFFFFFF  }
0xae: {  	[dreg:$0x0] =	wrdreg $0x60  }
0xaf: {  	[dreg:$0x2] =	wrdreg s2  }
0xb0: {  	[dreg:$0x3] =	wrdreg s18  }
0xb1: {  	[dreg:$0x4] =	wrdreg s24  }
0xb2: {  	[dreg:$0x5] =	wrdreg $0x9  }
0xb3: {  	_ =	task.clear_ibuf [dreg:s8], $0x6FFFF;
	_ =	strace $0x90000046  }
0xb4: {  	s29 =	simm.s32 $0x9;
	_ =	strace $0x80000048  }
0xb5: {  	_ =	swait.ge [sflag:s29], $0x1  }
0xb6: {  	[sflag:s29] =	ssyncadd.s32 $0xFFFFFFFF  }
0xb7: {  	_ =	strace $0x90000048  }
0xb8: {  	_ =	sfence  }
0xb9: {  	s30 =	sld [smem:$0x0];
	_ =	sdelay $0x2  }
0xba: {  	s31 =	sshll.u32 s1, $0xD;
	s1 =	sshrl.u32 s1, $0x2  }
0xbb: {  	s3 =	sand.u32 $0x4000, s31;
	s1 =	sadd.s32 s1, s30  }
0xbc: {  	s0 =	sor.u32 s3, s0;
	s1 =	sshll.u32 s1, $0x11  }
0xbd: {  	s0 =	sor.u32 s1, s0  }
0xbe: {  	s0 =	sadd.s32 $0x8F2B, s0  }
0xbf: {  	[sflag:s0] =	ssyncadd.remote.s32 $0x1  }
0xc0: {  	_ =	sfence.sel $0xFFFF  }
0xc1: {  	[dreg:$0x0] =	wrdreg $0xFFFFFFFF;
	(pc) =	sbr.abs _section_cstart, $3  }
0xc2: {  	[dreg:$0x1] =	wrdreg $0xFFFFFFFF  }
0xc3: {  	_ =	task.clear_ibuf [dreg:s8], $0x2FFFF;
	_ =	strace $0x9FFFFFFF  }
0xc4: {  	(tm) =	ssettm $0x7FFFFFFF  }
0xc5: {  	_ =	shalt  }
tec
execute0_lowered:
.L_overlay_start_1:
0x0: {  	(tag) =	ssettag $0x1  }
0x1: {  	v0 =	vimm.s32 $0x81800100;
	vm0 =	vcmask $0xF00;
	vm10 =	vcmask $0x1310  }
0x2: {  	vm9 =	vcmask $0x1714;
	vm8 =	vcmask $0x1B18;
	vm7 =	vcmask $0x1F1C  }
0x3: {  	vm6 =	vcmask $0x2320;
	vm5 =	vcmask $0x2724;
	vm4 =	vcmask $0x2B28  }
0x4: {  	vm3 =	vcmask $0x2F2C;
	vm2 =	vcmask $0x3330;
	vm1 =	vcmask $0x3734  }
0x5: {  	v1 =	vimm.s32 $0x781;
	vm14 =	vcmask $0x300;
	vm13 =	vcmask $0x704  }
0x6: {  	vm12 =	vcmask $0xB08;
	v2 =	vimm.s32 $0xB81;
	v3 =	vimm.s32 $0xF81  }
0x7: {  	vm11 =	vcmask $0xF0C;
	v4 =	vimm.s32 $0x1381;
	v5 =	vimm.s32 $0x1781  }
0x8: {  	v6 =	vimm.s32 $0x1B81;
	v10 =	vlaneseq.u32;
	v0 =	vunpack.c.0.s8.s32 v0  }
0x9: {  	v1 =	vsel vm14, $0x400, v1;
	v2 =	vsel vm14, $0x800, v2;
	v3 =	vsel vm14, $0xC00, v3  }
0xa: {  	v4 =	vsel vm14, $0x1000, v4;
	v5 =	vsel vm14, $0x1400, v5;
	v6 =	vsel vm14, $0x1800, v6  }
0xb: {  	v7 =	vadd.s32 $0x2, v10;
	v8 =	vadd.s32 $0x12, v10;
	v9 =	vadd.s32 $0x22, v10  }
0xc: {  	v10 =	vadd.s32 $0x32, v10;
	v1 =	vsel vm13, $0x401, v1;
	v2 =	vsel vm13, $0x801, v2  }
0xd: {  	v3 =	vsel vm13, $0xC01, v3;
	v4 =	vsel vm13, $0x1001, v4;
	v5 =	vsel vm13, $0x1401, v5  }
0xe: {  	v6 =	vsel vm13, $0x1801, v6;
	v0 =	vand.u32 $0xFF, v0;
	v1 =	vsel vm12, $0x480, v1  }
0xf: {  	v2 =	vsel vm12, $0x880, v2;
	v3 =	vsel vm12, $0xC80, v3;
	v4 =	vsel vm12, $0x1080, v4  }
0x10: {  	v5 =	vsel vm12, $0x1480, v5;
	v6 =	vsel vm12, $0x1880, v6;
	v0 =	vnsel vm0, $0x381, v0  }
0x11: {  	vm0 =	vcmask $0x3B38;
	v1 =	vsel vm11, $0x481, v1;
	v2 =	vsel vm11, $0x881, v2  }
0x12: {  	v3 =	vsel vm11, $0xC81, v3;
	v4 =	vsel vm11, $0x1081, v4;
	v5 =	vsel vm11, $0x1481, v5  }
0x13: {  	v6 =	vsel vm11, $0x1881, v6;
	v0 =	vsel vm10, $0x100, v0;
	v1 =	vsel vm10, $0x500, v1  }
0x14: {  	v2 =	vsel vm10, $0x900, v2;
	v3 =	vsel vm10, $0xD00, v3;
	v4 =	vsel vm10, $0x1100, v4  }
0x15: {  	v5 =	vsel vm10, $0x1500, v5;
	v6 =	vsel vm10, $0x1900, v6;
	v0 =	vsel vm9, $0x101, v0  }
0x16: {  	v1 =	vsel vm9, $0x501, v1;
	v2 =	vsel vm9, $0x901, v2;
	v3 =	vsel vm9, $0xD01, v3  }
0x17: {  	v4 =	vsel vm9, $0x1101, v4;
	v5 =	vsel vm9, $0x1501, v5;
	v6 =	vsel vm9, $0x1901, v6  }
0x18: {  	v0 =	vsel vm8, $0x180, v0;
	v1 =	vsel vm8, $0x580, v1;
	v2 =	vsel vm8, $0x980, v2  }
0x19: {  	v3 =	vsel vm8, $0xD80, v3;
	v4 =	vsel vm8, $0x1180, v4;
	v5 =	vsel vm8, $0x1580, v5  }
0x1a: {  	v6 =	vsel vm8, $0x1980, v6;
	v0 =	vsel vm7, $0x181, v0;
	v1 =	vsel vm7, $0x581, v1  }
0x1b: {  	v2 =	vsel vm7, $0x981, v2;
	v3 =	vsel vm7, $0xD81, v3;
	v4 =	vsel vm7, $0x1181, v4  }
0x1c: {  	v5 =	vsel vm7, $0x1581, v5;
	v6 =	vsel vm7, $0x1981, v6;
	v0 =	vsel vm6, $0x200, v0  }
0x1d: {  	s0 =	stileid.u32;
	v1 =	vsel vm6, $0x600, v1;
	v2 =	vsel vm6, $0xA00, v2;
	v3 =	vsel vm6, $0xE00, v3  }
0x1e: {  	s11 =	rddreg [dreg:$0x0];
	s1 =	srdreg.scid;
	v4 =	vsel vm6, $0x1200, v4;
	v5 =	vsel vm6, $0x1600, v5;
	v6 =	vsel vm6, $0x1A00, v6  }
0x1f: {  	s7 =	rddreg [dreg:$0x2];
	s3 =	simm.s32 $0x0;
	s8 =	sshrl.u32 s0, $0x2;
	v0 =	vsel vm5, $0x201, v0;
	v1 =	vsel vm5, $0x601, v1;
	v2 =	vsel vm5, $0xA01, v2  }
0x20: {  	s16 =	simm.s32 $0xE500;
	s5 =	sand.u32 $0x3, s0;
	s4 =	smul.u32 $0xC40, s8;
	v3 =	vsel vm5, $0xE01, v3;
	v4 =	vsel vm5, $0x1201, v4;
	v5 =	vsel vm5, $0x1601, v5  }
0x21: {  	s2 =	sshll.u32 s0, $0x1;
	s6 =	sand.u32 $0x1, s1;
	s5 =	smul.u32 $0x150, s5;
	v6 =	vsel vm5, $0x1A01, v6;
	v0 =	vsel vm4, $0x280, v0;
	v1 =	vsel vm4, $0x680, v1  }
0x22: {  	s17 =	simm.s32 $0x0;
	s2 =	sand.u32 $0x6, s2;
	s10 =	smul.u32 $0xA8, s6;
	v2 =	vsel vm4, $0xA80, v2;
	v3 =	vsel vm4, $0xE80, v3;
	v4 =	vsel vm4, $0x1280, v4  }
0x23: {  	s1 =	rddreg [dreg:$0x1];
	s28 =	smul.u32 $0x540, s8;
	s2 =	sor.u32 s6, s2;
	v5 =	vsel vm4, $0x1680, v5;
	v6 =	vsel vm4, $0x1A80, v6;
	v0 =	vsel vm3, $0x281, v0  }
0x24: {  	[smem:$0x7FF] =	sst s3;
	s14 =	ssub.s32 $0x2, s6;
	s9 =	smul.u32 $0xA8, s2;
	v1 =	vsel vm3, $0x681, v1;
	v2 =	vsel vm3, $0xA81, v2;
	v3 =	vsel vm3, $0xE81, v3  }
0x25: {  	s8 =	sshll.u32 s8, $0x6;
	s6 =	sadd.s32 $0xA00, s7;
	s30 =	sshrl.u32 s14, $0x1;
	v4 =	vsel vm3, $0x1281, v4;
	v5 =	vsel vm3, $0x1681, v5;
	v6 =	vsel vm3, $0x1A81, v6  }
0x26: {  	s2 =	rddreg [dreg:$0x3];
	s13 =	sadd.s32 s5, s4;
	s12 =	sadd.s32 s9, s4;
	v0 =	vsel vm2, $0x300, v0;
	v1 =	vsel vm2, $0x700, v1;
	v2 =	vsel vm2, $0xB00, v2  }
0x27: {  	_ =	strace $0x80000047;
	s10 =	sadd.s32 s10, s13;
	s5 =	sadd.s32 $0x700, s12;
	v3 =	vsel vm2, $0xF00, v3;
	v4 =	vsel vm2, $0x1300, v4;
	v5 =	vsel vm2, $0x1700, v5  }
0x28: {  	s31 =	ssub.s32 s14, s30;
	s10 =	sadd.s32 $0x708, s10;
	s29 =	sshrl.u32 s5, $0x3;
	v6 =	vsel vm2, $0x1B00, v6;
	v0 =	vsel vm1, $0x301, v0;
	v1 =	vsel vm1, $0x701, v1  }
0x29: {  	s14 =	simm.s32 $0xC900;
	s10 =	sshrl.u32 s10, $0x3;
	s13 =	smul.u32 $0xC80, s29;
	v2 =	vsel vm1, $0xB01, v2;
	v3 =	vsel vm1, $0xF01, v3;
	v4 =	vsel vm1, $0x1301, v4  }
0x2a: {  	s4 =	sadd.s32 $0x800, s7;
	s7 =	sadd.s32 s28, s9;
	s15 =	smul.u32 $0xC80, s10;
	v5 =	vsel vm1, $0x1701, v5;
	v6 =	vsel vm1, $0x1B01, v6;
	v0 =	vsel vm0, $0x380, v0  }
0x2b: {  	s12 =	simm.s32 $0x3;
	s10 =	smax.u32 s31, $0x1;
	s9 =	sadd.s32 s11, s13;
	v1 =	vsel vm0, $0x780, v1;
	v2 =	vsel vm0, $0xB80, v2;
	v3 =	vsel vm0, $0xF80, v3  }
0x2c: {  	s11 =	sadd.s32 s15, s11;
	s13 =	simm.s32 $0x100;
	s15 =	simm.s32 $0x4;
	v4 =	vsel vm0, $0x1380, v4;
	v5 =	vsel vm0, $0x1780, v5;
	v6 =	vsel vm0, $0x1B80, v6  }
.LBB2_1:
0x2d: {  	[tilespmem:s3], [sflag:$0x3] =	stream.linear.gather [hbm4b:s4+s3], $0x100, $0x38;
	[tilespmem:$0x10100] =	vst v63  }
0x2e: {  	_ =	swait.ge [sflag:s12], $0x100  }
0x2f: {  	[sflag:s12] =	ssyncset.done $0x0  }
0x30: {  	[sflag:s12] =	ssyncadd.s32 $0xFFFFFF00  }
0x31: {  	v11 =	vld [tilespmem:s8+$0x0]  }
0x32: {  	v16 =	vld [tilespmem:s8+$0x10]  }
0x33: {  	v25 =	vld [tilespmem:s8+$0x20]  }
0x34: {  	v31 =	vld [tilespmem:s8+$0x30];
	_ =	sdelay $0x2  }
0x35: {  	v12 =	vshll.u32 v11, $0x3;
	v11 =	vand.u32 $0x7F, v11  }
0x36: {  	v17 =	vshll.u32 v16, $0x3;
	v18 =	vand.u32 $0x7F, v16;
	v26 =	vshll.u32 v25, $0x3  }
0x37: {  	v27 =	vand.u32 $0x7F, v25;
	v32 =	vshll.u32 v31, $0x3;
	v33 =	vand.u32 $0x7F, v31  }
0x38: {  	v12 =	vand.u32 $0xFFFFFC00, v12;
	v19 =	vand.u32 $0xFFFFFC00, v17;
	v28 =	vand.u32 $0xFFFFFC00, v26  }
0x39: {  	v34 =	vand.u32 $0xFFFFFC00, v32;
	v11 =	vor.u32 v11, v12;
	v18 =	vor.u32 v18, v19  }
0x3a: {  	v27 =	vor.u32 v27, v28;
	v33 =	vor.u32 v33, v34;
	v12 =	vor.u32 $0x80, v11  }
0x3b: {  	v13 =	vor.u32 $0x100, v11;
	v14 =	vor.u32 $0x180, v11;
	v15 =	vor.u32 $0x200, v11  }
0x3c: {  	v16 =	vor.u32 $0x280, v11;
	v17 =	vor.u32 $0x300, v11;
	v19 =	vor.u32 $0x380, v11  }
0x3d: {  	v20 =	vor.u32 $0x80, v18;
	v21 =	vor.u32 $0x100, v18;
	v22 =	vor.u32 $0x180, v18  }
0x3e: {  	v23 =	vor.u32 $0x200, v18;
	v24 =	vor.u32 $0x280, v18;
	v25 =	vor.u32 $0x300, v18  }
0x3f: {  	v26 =	vor.u32 $0x380, v18;
	v28 =	vor.u32 $0x80, v27;
	v29 =	vor.u32 $0x100, v27  }
0x40: {  	v30 =	vor.u32 $0x180, v27;
	v31 =	vor.u32 $0x200, v27;
	v32 =	vor.u32 $0x280, v27  }
0x41: {  	v34 =	vor.u32 $0x300, v27;
	v35 =	vor.u32 $0x380, v27;
	v36 =	vor.u32 $0x80, v33  }
0x42: {  	s18 =	smov.u32 s11;
	s19 =	simm.s32 $0x0;
	v37 =	vor.u32 $0x100, v33;
	v38 =	vor.u32 $0x180, v33;
	v39 =	vor.u32 $0x200, v33  }
0x43: {  	[tilespmem:s13], [sflag:$0x1] =	stream.linear.gather [hbm4b:s9+s3], $0x6400, $0x38;
	v40 =	vor.u32 $0x280, v33;
	v41 =	vor.u32 $0x300, v33;
	v42 =	vor.u32 $0x380, v33;
	[tilespmem:$0x10100] =	vst v63  }
.LBB2_2:
0x44: {  	s20 =	smul.u32 $0x25, s19;
	_ =	sdelay $0x1  }
0x45: {  	s20 =	sshrl.u32 s20, $0x8  }
0x46: {  	s21 =	ssub.s32 s19, s20  }
0x47: {  	s21 =	sand.u32 $0xFE, s21  }
0x48: {  	s21 =	sshrl.u32 s21, $0x1  }
0x49: {  	s20 =	sadd.s32 s20, s21  }
0x4a: {  	s20 =	sand.u32 $0xFC, s20  }
0x4b: {  	s20 =	sshrl.u32 s20, $0x2  }
0x4c: {  	s31 =	smul.u32 $0x7, s20;
	_ =	sdelay $0x1  }
0x4d: {  	s23 =	ssub.s32 s19, s31  }
0x4e: {  	s21 =	sand.u32 $0xFF, s23  }
0x4f: {  	p0 =	sne.s32 s21, $0x0  }
0x50: {  	s22 =	smul.u32 @!p0 $0x38, s20;
	_ =	sdelay $0x1  }
0x51: {  	s22 =	sadd.s32 @!p0 s5, s22  }
0x52: {  	s22 =	sshll.u32 @!p0 s22, $0x4  }
0x53: {  	s22 =	sadd.s32 @!p0 s1, s22  }
0x54: {  	[tilespmem:s14], [sflag:$0x4] =	stream.linear.gather @!p0 [hbm4b:s22+s3], $0x1C00, $0x38;
	[tilespmem:$0x10100] =	vst v63  }
0x55: {  	_ =	swait.ge @!p0 [sflag:s15], $0x1C00  }
0x56: {  	[sflag:s15] =	ssyncset.done @!p0 $0x0  }
0x57: {  	[sflag:s15] =	ssyncadd.s32 @!p0 $0xFFFFE400  }
0x58: {  	v43 =	vld.idx.msk @!p0 [tilespmem:v0+s14+$0x0], $0xffff;
	_ =	sdelay $0x4  }
0x59: {  	[tilespmem:v0+s16+$0x0] =	vst.idx.msk @!p0 $0xffff, v43  }
0x5a: {  	v43 =	vld.idx.msk @!p0 [tilespmem:v1+s14+$0x0], $0xffff;
	_ =	sdelay $0x4  }
0x5b: {  	[tilespmem:v1+s16+$0x0] =	vst.idx.msk @!p0 $0xffff, v43  }
0x5c: {  	v43 =	vld.idx.msk @!p0 [tilespmem:v2+s14+$0x0], $0xffff;
	_ =	sdelay $0x4  }
0x5d: {  	[tilespmem:v2+s16+$0x0] =	vst.idx.msk @!p0 $0xffff, v43  }
0x5e: {  	v43 =	vld.idx.msk @!p0 [tilespmem:v3+s14+$0x0], $0xffff;
	_ =	sdelay $0x4  }
0x5f: {  	[tilespmem:v3+s16+$0x0] =	vst.idx.msk @!p0 $0xffff, v43  }
0x60: {  	v43 =	vld.idx.msk @!p0 [tilespmem:v4+s14+$0x0], $0xffff;
	_ =	sdelay $0x4  }
0x61: {  	[tilespmem:v4+s16+$0x0] =	vst.idx.msk @!p0 $0xffff, v43  }
0x62: {  	v43 =	vld.idx.msk @!p0 [tilespmem:v5+s14+$0x0], $0xffff;
	_ =	sdelay $0x4  }
0x63: {  	[tilespmem:v5+s16+$0x0] =	vst.idx.msk @!p0 $0xffff, v43  }
0x64: {  	v43 =	vld.idx.msk @!p0 [tilespmem:v6+s14+$0x0], $0xffff;
	_ =	sdelay $0x4  }
0x65: {  	[tilespmem:v6+s16+$0x0] =	vst.idx.msk @!p0 $0xffff, v43;
	p0 =	seq.s32 s19, $0x14  }
0x66: {  	s22 =	sand.u32 @!p0 $0x1, s19  }
0x67: {  	p1 =	seq.s32 @!p0 s22, $0x1  }
0x68: {  	p2 =	por !p1, p0  }
0x69: {  	s22 =	simm.s32 @!p2 $0x0;
	s24 =	simm.s32 @!p2 $0x100  }
0x6a: {  	[tilespmem:s24], [sflag:$0x1] =	stream.linear.gather @!p2 [hbm4b:s18+s22], $0x6400, $0x38;
	[tilespmem:$0x10100] =	vst v63  }
0x6b: {  	p1 =	por p1, p0;
	s24 =	simm.s32 @!p2 $0x2  }
0x6c: {  	s25 =	simm.s32 @!p1 $0x6500;
	s22 =	simm.s32 @!p1 $0x0;
	s24 =	simm.s32 @p2 $0x1  }
0x6d: {  	[tilespmem:s25], [sflag:$0x2] =	stream.linear.gather @!p1 [hbm4b:s18+s22], $0x6400, $0x38;
	[tilespmem:$0x10100] =	vst v63  }
0x6e: {  	s24 =	simm.s32 @p0 $0x1  }
0x6f: {  	s22 =	simm.s32 @!p2 $0x6500;
	_ =	swait.ge [sflag:s24], $0x6400  }
0x70: {  	s23 =	sshll.u32 s23, $0xA;
	s22 =	simm.s32 @p2 $0x100;
	[sflag:s24] =	ssyncset.done $0x0  }
0x71: {  	s23 =	sand.u32 $0x7C00, s23;
	s22 =	simm.s32 @p0 $0x100;
	[sflag:s24] =	ssyncadd.s32 $0xFFFF9C00  }
0x72: {  	v44 =	vor.u32 s23, v7;
	v48 =	vld.idx.msk [tilespmem:v11+s22+$0x0], $0xffff;
	_ =	sdelay $0x4  }
0x73: {  	s24 =	sor.u32 $0x80, s23;
	[tilespmem:v44+s16+$0x0] =	vst.idx.msk $0xffff, v48  }
0x74: {  	v49 =	vor.u32 s24, v7;
	v43 =	vld.idx.msk [tilespmem:v12+s22+$0x0], $0xffff;
	_ =	sdelay $0x4  }
0x75: {  	s25 =	sor.u32 $0x100, s23;
	[tilespmem:v49+s16+$0x0] =	vst.idx.msk $0xffff, v43  }
0x76: {  	v50 =	vor.u32 s25, v7;
	v43 =	vld.idx.msk [tilespmem:v13+s22+$0x0], $0xffff;
	_ =	sdelay $0x4  }
0x77: {  	s26 =	sor.u32 $0x180, s23;
	[tilespmem:v50+s16+$0x0] =	vst.idx.msk $0xffff, v43  }
0x78: {  	v51 =	vor.u32 s26, v7;
	v43 =	vld.idx.msk [tilespmem:v14+s22+$0x0], $0xffff;
	_ =	sdelay $0x4  }
0x79: {  	s28 =	sor.u32 $0x200, s23;
	[tilespmem:v51+s16+$0x0] =	vst.idx.msk $0xffff, v43  }
0x7a: {  	v52 =	vor.u32 s28, v7;
	v43 =	vld.idx.msk [tilespmem:v15+s22+$0x0], $0xffff;
	_ =	sdelay $0x4  }
0x7b: {  	s29 =	sor.u32 $0x280, s23;
	[tilespmem:v52+s16+$0x0] =	vst.idx.msk $0xffff, v43  }
0x7c: {  	v53 =	vor.u32 s29, v7;
	v43 =	vld.idx.msk [tilespmem:v16+s22+$0x0], $0xffff;
	_ =	sdelay $0x4  }
0x7d: {  	s30 =	sor.u32 $0x300, s23;
	[tilespmem:v53+s16+$0x0] =	vst.idx.msk $0xffff, v43  }
0x7e: {  	v54 =	vor.u32 s30, v7;
	v43 =	vld.idx.msk [tilespmem:v17+s22+$0x0], $0xffff;
	_ =	sdelay $0x4  }
0x7f: {  	s31 =	sor.u32 $0x380, s23;
	[tilespmem:v54+s16+$0x0] =	vst.idx.msk $0xffff, v43  }
0x80: {  	v55 =	vor.u32 s31, v7;
	v43 =	vld.idx.msk [tilespmem:v19+s22+$0x0], $0xffff;
	_ =	sdelay $0x4  }
0x81: {  	[tilespmem:v55+s16+$0x0] =	vst.idx.msk $0xffff, v43  }
0x82: {  	v56 =	vor.u32 s23, v8;
	v43 =	vld.idx.msk [tilespmem:v18+s22+$0x0], $0xffff;
	_ =	sdelay $0x4  }
0x83: {  	[tilespmem:v56+s16+$0x0] =	vst.idx.msk $0xffff, v43  }
0x84: {  	v57 =	vor.u32 s24, v8;
	v43 =	vld.idx.msk [tilespmem:v20+s22+$0x0], $0xffff;
	_ =	sdelay $0x4  }
0x85: {  	[tilespmem:v57+s16+$0x0] =	vst.idx.msk $0xffff, v43  }
0x86: {  	v58 =	vor.u32 s25, v8;
	v43 =	vld.idx.msk [tilespmem:v21+s22+$0x0], $0xffff;
	_ =	sdelay $0x4  }
0x87: {  	[tilespmem:v58+s16+$0x0] =	vst.idx.msk $0xffff, v43  }
0x88: {  	v59 =	vor.u32 s26, v8;
	v43 =	vld.idx.msk [tilespmem:v22+s22+$0x0], $0xffff;
	_ =	sdelay $0x4  }
0x89: {  	[tilespmem:v59+s16+$0x0] =	vst.idx.msk $0xffff, v43  }
0x8a: {  	v60 =	vor.u32 s28, v8;
	v43 =	vld.idx.msk [tilespmem:v23+s22+$0x0], $0xffff;
	_ =	sdelay $0x4  }
0x8b: {  	[tilespmem:v60+s16+$0x0] =	vst.idx.msk $0xffff, v43  }
0x8c: {  	v61 =	vor.u32 s29, v8;
	v43 =	vld.idx.msk [tilespmem:v24+s22+$0x0], $0xffff;
	_ =	sdelay $0x4  }
0x8d: {  	[tilespmem:v61+s16+$0x0] =	vst.idx.msk $0xffff, v43  }
0x8e: {  	v62 =	vor.u32 s30, v8;
	v43 =	vld.idx.msk [tilespmem:v25+s22+$0x0], $0xffff;
	_ =	sdelay $0x4  }
0x8f: {  	[tilespmem:v62+s16+$0x0] =	vst.idx.msk $0xffff, v43  }
0x90: {  	v63 =	vor.u32 s31, v8;
	v43 =	vld.idx.msk [tilespmem:v26+s22+$0x0], $0xffff;
	_ =	sdelay $0x4  }
0x91: {  	[tilespmem:v63+s16+$0x0] =	vst.idx.msk $0xffff, v43  }
0x92: {  	v48 =	vor.u32 s23, v9;
	v43 =	vld.idx.msk [tilespmem:v27+s22+$0x0], $0xffff;
	_ =	sdelay $0x4  }
0x93: {  	[tilespmem:v48+s16+$0x0] =	vst.idx.msk $0xffff, v43  }
0x94: {  	v49 =	vor.u32 s24, v9;
	v43 =	vld.idx.msk [tilespmem:v28+s22+$0x0], $0xffff;
	_ =	sdelay $0x4  }
0x95: {  	[tilespmem:v49+s16+$0x0] =	vst.idx.msk $0xffff, v43  }
0x96: {  	v50 =	vor.u32 s25, v9;
	v43 =	vld.idx.msk [tilespmem:v29+s22+$0x0], $0xffff;
	_ =	sdelay $0x4  }
0x97: {  	[tilespmem:v50+s16+$0x0] =	vst.idx.msk $0xffff, v43  }
0x98: {  	v51 =	vor.u32 s26, v9;
	v43 =	vld.idx.msk [tilespmem:v30+s22+$0x0], $0xffff;
	_ =	sdelay $0x4  }
0x99: {  	[tilespmem:v51+s16+$0x0] =	vst.idx.msk $0xffff, v43  }
0x9a: {  	v52 =	vor.u32 s28, v9;
	v43 =	vld.idx.msk [tilespmem:v31+s22+$0x0], $0xffff;
	_ =	sdelay $0x4  }
0x9b: {  	[tilespmem:v52+s16+$0x0] =	vst.idx.msk $0xffff, v43  }
0x9c: {  	v53 =	vor.u32 s29, v9;
	v43 =	vld.idx.msk [tilespmem:v32+s22+$0x0], $0xffff;
	_ =	sdelay $0x4  }
0x9d: {  	[tilespmem:v53+s16+$0x0] =	vst.idx.msk $0xffff, v43  }
0x9e: {  	v54 =	vor.u32 s30, v9;
	v43 =	vld.idx.msk [tilespmem:v34+s22+$0x0], $0xffff;
	_ =	sdelay $0x4  }
0x9f: {  	[tilespmem:v54+s16+$0x0] =	vst.idx.msk $0xffff, v43  }
0xa0: {  	v55 =	vor.u32 s31, v9;
	v43 =	vld.idx.msk [tilespmem:v35+s22+$0x0], $0xffff;
	_ =	sdelay $0x4  }
0xa1: {  	[tilespmem:v55+s16+$0x0] =	vst.idx.msk $0xffff, v43  }
0xa2: {  	v56 =	vor.u32 s23, v10;
	v43 =	vld.idx.msk [tilespmem:v33+s22+$0x0], $0xffff;
	_ =	sdelay $0x4  }
0xa3: {  	[tilespmem:v56+s16+$0x0] =	vst.idx.msk $0xffff, v43  }
0xa4: {  	v57 =	vor.u32 s24, v10;
	v43 =	vld.idx.msk [tilespmem:v36+s22+$0x0], $0xffff;
	_ =	sdelay $0x4  }
0xa5: {  	[tilespmem:v57+s16+$0x0] =	vst.idx.msk $0xffff, v43  }
0xa6: {  	v58 =	vor.u32 s25, v10;
	v43 =	vld.idx.msk [tilespmem:v37+s22+$0x0], $0xffff;
	_ =	sdelay $0x4  }
0xa7: {  	[tilespmem:v58+s16+$0x0] =	vst.idx.msk $0xffff, v43  }
0xa8: {  	v59 =	vor.u32 s26, v10;
	v43 =	vld.idx.msk [tilespmem:v38+s22+$0x0], $0xffff;
	_ =	sdelay $0x4  }
0xa9: {  	[tilespmem:v59+s16+$0x0] =	vst.idx.msk $0xffff, v43  }
0xaa: {  	v60 =	vor.u32 s28, v10;
	v43 =	vld.idx.msk [tilespmem:v39+s22+$0x0], $0xffff;
	_ =	sdelay $0x4  }
0xab: {  	[tilespmem:v60+s16+$0x0] =	vst.idx.msk $0xffff, v43  }
0xac: {  	v61 =	vor.u32 s29, v10;
	v43 =	vld.idx.msk [tilespmem:v40+s22+$0x0], $0xffff;
	_ =	sdelay $0x4  }
0xad: {  	[tilespmem:v61+s16+$0x0] =	vst.idx.msk $0xffff, v43  }
0xae: {  	v62 =	vor.u32 s30, v10;
	v43 =	vld.idx.msk [tilespmem:v41+s22+$0x0], $0xffff;
	_ =	sdelay $0x4  }
0xaf: {  	[tilespmem:v62+s16+$0x0] =	vst.idx.msk $0xffff, v43  }
0xb0: {  	p0 =	sne.s32 s21, $0x6;
	v63 =	vor.u32 s31, v10;
	v43 =	vld.idx.msk [tilespmem:v42+s22+$0x0], $0xffff  }
0xb1: {  	s20 =	smul.u32 @!p0 $0x38, s20;
	_ =	sdelay $0x1  }
0xb2: {  	s19 =	sadd.s32 $0x1, s19;
	s20 =	sadd.s32 @!p0 s20, s7  }
0xb3: {  	p1 =	sne.s32 s19, $0x15;
	s20 =	sshll.u32 @!p0 s20, $0x4  }
0xb4: {  	s21 =	simm.s32 @!p0 $0x0;
	s20 =	sadd.s32 @!p0 s6, s20;
	s22 =	simm.s32 @!p0 $0xE500;
	[tilespmem:v63+s16+$0x0] =	vst.idx.msk $0xffff, v43  }
0xb5: {  	[hbm4b:s20+s21] =	stream.linear.scatter @!p0 [tilespmem:s22], [sflag:$0x3], $0x1C00, $0x38;
	[tilespmem:$0x10100] =	vst v63  }
.Ltmp0:
0xb6: {  	_ = 	snop;
	(pc) =	sbr.rel @p1 .LBB2_2-.Ltmp0, $4  }
0xb7: {  	s20 =	simm.s32 @!p0 $0x3  }
0xb8: {  	_ =	swait.ge @!p0 [sflag:s20], $0x1C00  }
0xb9: {  	[sflag:s20] =	ssyncset.done @!p0 $0x0  }
0xba: {  	s18 =	sadd.s32 $0xC80, s18;
	[sflag:s20] =	ssyncadd.s32 @!p0 $0xFFFFE400  }
0xbb: {  	s17 =	sadd.s32 $0x1, s17  }
0xbc: {  	p0 =	sne.s32 s17, s10  }
.Ltmp1:
0xbd: {  	_ = 	snop;
	(pc) =	sbr.rel @p0 .LBB2_1-.Ltmp1, $1  }
0xbe: {  	_ =	sdelay $0x3  }
0xbf: {  	_ =	sfence.sel $0x180000  }
0xc0: {  	[bflag:$0x0] =	sbarrier.arrive $0xFFFF  }
0xc1: {  	p0 =	sne.s32 s0, $0x0;
	_ =	strace $0x90000047  }
0xc2: {  	s0 =	sadd.s32 @!p0 $0x100000, s2;
	[bflag:$0x2] =	sbarrier.arrive $0xFFFF  }
0xc3: {  	[sflag:s0] =	ssyncadd.tile.s32 @!p0 $0x1;
	_ =	shalt  }
.Lfunc_end2:
_tile_overlayer_lowered:
.L_overlay_start_2:
0xc4: {  	(tag) =	ssettag $0x2  }
0xc5: {  	s0 =	rddreg [dreg:$0x0];
	s2 =	stileid.u32  }
0xc6: {  	s1 =	rddreg [dreg:$0x1];
	p0 =	sne.s32 s2, $0x0  }
0xc7: {  	s3 =	rddreg [dreg:$0x2];
	[bflag:$0x3] =	sbarrier.arrive $0xFFFF;
	s2 =	simm.s32 @!p0 $0x1C03  }
0xc8: {  	[timem:s3], [sflag:s2] =	dma.local @!p0 [hbm:s0], s1  }
0xc9: {  	s0 =	simm.s32 @!p0 $0x3  }
0xca: {  	_ =	swait.ge @!p0 [sflag:s0], s1  }
0xcb: {  	s1 =	ssub.s32 @!p0 $0x0, s1;
	[sflag:s0] =	ssyncset.done @!p0 $0x0  }
0xcc: {  	[sflag:s0] =	ssyncadd.s32 @!p0 s1  }
0xcd: {  	[bflag:$0x3] =	sbarrier.arrive $0xFFFF  }
0xce: {  	_ =	shalt  }

</sc_bundles>
